<compile_context>
chip_gen: v7x
topology: tpu7x:2x2x1
jax: 0.10.2.dev20260603
libtpu: 0.0.44.dev20260713+nightly
codegen_flags: <defaults>
</compile_context>

<pallas_src>
import functools
import ml_dtypes
import numpy as np
import jax
import jax.numpy as jnp
from jax import lax
from jax.experimental import pallas as pl
from jax.experimental.pallas import tpu as pltpu
from jax.experimental.pallas import tpu_sc as plsc

CODEBOOK = 8192
D_EMB = 256
E_DIM = 2048
DIM = 1024
PACKED = E_DIM // 2
PACKED_D = D_EMB // 2

NW = 32
CHUNK = 128
N_IDX = 65536
PER_W = N_IDX // NW
N_CHUNK = PER_W // CHUNK


@functools.cache
def _make_gather(n_idx):
    mesh = plsc.VectorSubcoreMesh(core_axis_name="c", subcore_axis_name="s")
    per_w = n_idx // NW
    n_chunk = per_w // CHUNK

    @functools.partial(
        pl.kernel,
        out_type=jax.ShapeDtypeStruct((n_idx, PACKED_D), jnp.int32),
        mesh=mesh,
        scratch_types=[
            pltpu.VMEM((n_chunk, CHUNK), jnp.int32),
            pltpu.VMEM((CHUNK, PACKED_D), jnp.int32),
            pltpu.VMEM((CHUNK, PACKED_D), jnp.int32),
            pltpu.SemaphoreType.DMA,
            pltpu.SemaphoreType.DMA,
        ],
    )
    def gather_k(table_hbm, idx_hbm, out_hbm, idx_v, buf0, buf1, sem0, sem1):
        wid = lax.axis_index("s") * 2 + lax.axis_index("c")
        pltpu.sync_copy(idx_hbm.at[pl.ds(wid * n_chunk, n_chunk)], idx_v)
        bufs = (buf0, buf1)
        sems = (sem0, sem1)
        descs = [None, None]
        descs[0] = pltpu.async_copy(table_hbm.at[idx_v.at[0]], bufs[0], sems[0])
        for c in range(n_chunk):
            if c + 1 < n_chunk:
                descs[(c + 1) % 2] = pltpu.async_copy(
                    table_hbm.at[idx_v.at[c + 1]], bufs[(c + 1) % 2],
                    sems[(c + 1) % 2])
            descs[c % 2].wait()
            pltpu.sync_copy(
                bufs[c % 2],
                out_hbm.at[pl.ds(wid * per_w + c * CHUNK, CHUNK)])

    return gather_k


_BM = 512
_SL = 2048


def _rb16(u):
    return (u + jnp.uint32(0x7FFF) + ((u >> 16) & jnp.uint32(1))) >> 16


def _unpack_lo(w):
    return lax.bitcast_convert_type(w << 16, jnp.float32)


def _unpack_hi(w):
    return lax.bitcast_convert_type(w & jnp.int32(-65536), jnp.float32)


def _mm_body(alpha_ref, emb_ref, pe_lo_ref, pe_hi_ref, w_ref, out_ref,
             we_s, wo_s):
    i = pl.program_id(0)
    j = pl.program_id(1)

    @pl.when(jnp.logical_and(i == 0, j == 0))
    def _():
        w = w_ref[...]
        we_s[...] = jnp.concatenate(
            [w[:, g * D_EMB:g * D_EMB + PACKED_D] for g in range(8)],
            axis=1).astype(jnp.bfloat16)
        wo_s[...] = jnp.concatenate(
            [w[:, g * D_EMB + PACKED_D:(g + 1) * D_EMB] for g in range(8)],
            axis=1).astype(jnp.bfloat16)

    raw = emb_ref[0]
    a = alpha_ref[0]
    ze = _unpack_lo(raw) + a * pe_lo_ref[...].astype(jnp.float32)
    zo = _unpack_hi(raw) + a * pe_hi_ref[...].astype(jnp.float32)
    dn = (((1,), (1,)), ((), ()))
    out_ref[0] = (
        lax.dot_general(ze.astype(jnp.bfloat16), we_s[...], dn,
                        preferred_element_type=jnp.float32)
        + lax.dot_general(zo.astype(jnp.bfloat16), wo_s[...], dn,
                          preferred_element_type=jnp.float32))


def _matmul(alpha, emb3, pe_lo, pe_hi, w_out):
    bs = emb3.shape[0]
    grid = (_SL // _BM, bs)
    return pl.pallas_call(
        _mm_body,
        grid=grid,
        in_specs=[
            pl.BlockSpec(memory_space=pltpu.SMEM),
            pl.BlockSpec((1, _BM, PACKED), lambda i, j: (j, i, 0)),
            pl.BlockSpec((_BM, PACKED), lambda i, j: (i, 0)),
            pl.BlockSpec((_BM, PACKED), lambda i, j: (i, 0)),
            pl.BlockSpec((DIM, E_DIM), lambda i, j: (0, 0)),
        ],
        out_specs=pl.BlockSpec((1, _BM, DIM), lambda i, j: (j, i, 0)),
        out_shape=jax.ShapeDtypeStruct((bs, _SL, DIM), jnp.float32),
        scratch_shapes=[
            pltpu.VMEM((DIM, PACKED), jnp.bfloat16),
            pltpu.VMEM((DIM, PACKED), jnp.bfloat16),
        ],
    )(alpha, emb3, pe_lo, pe_hi, w_out)


@functools.cache
def _pe_tables():
    pos = np.arange(16384, dtype=np.float32)[:, None]
    div = np.exp(np.arange(0, D_EMB, 2, dtype=np.float32)
                 * np.float32(-np.log(10000.0) / D_EMB)).astype(np.float32)
    arg = (pos * div).astype(np.float32).astype(np.float64)
    pe = np.zeros((16384, D_EMB), dtype=np.float32)
    pe[:, 0::2] = np.sin(arg)
    pe[:, 1::2] = np.cos(arg)
    pe3 = pe.reshape(_SL, 8, D_EMB)
    lo = pe3[:, :, :PACKED_D].reshape(_SL, PACKED)
    hi = pe3[:, :, PACKED_D:].reshape(_SL, PACKED)
    return (lo.astype(ml_dtypes.bfloat16), hi.astype(ml_dtypes.bfloat16))


def kernel(x, W_emb, alpha, W_out):
    bs, sl, P = x.shape

    u = lax.bitcast_convert_type(W_emb, jnp.uint32)
    word = _rb16(u[:, :PACKED_D]) | (_rb16(u[:, PACKED_D:]) << 16)
    table = lax.bitcast_convert_type(word, jnp.int32)

    pe_lo, pe_hi = _pe_tables()

    idx = x.reshape(N_IDX // CHUNK, CHUNK)
    emb = _make_gather(N_IDX)(table, idx)
    emb3 = emb.reshape(bs, sl, PACKED)
    out = _matmul(alpha, emb3, jnp.asarray(pe_lo), jnp.asarray(pe_hi), W_out)
    return out.reshape(bs, sl, DIM)

# --- scband reference (transcript-rebuilt; emitter-appended) ---
"""Pipeline reference for scband-patch-embedding-74749610820055 (READ-ONLY COPY).

The authoritative reference and input builder live on the scoring server;
editing this copy changes nothing except your own understanding.
"""

import jax, jax.numpy as jnp
import numpy as np

CODEBOOK = 8192
N_PATCH = 8
DIM = 1024
MULT = 2
D_EMB = MULT * DIM // N_PATCH          # 256, per-code embedding dim
E_DIM = N_PATCH * MULT * (DIM // N_PATCH)  # 2048, concatenated dim
BS, SL = 4, 2048


def sine_pe(length, d):
    pos = jnp.arange(length, dtype=jnp.float32)[:, None]
    div = jnp.exp(jnp.arange(0, d, 2, dtype=jnp.float32) * (-np.log(10000.0) / d))
    pe = jnp.zeros((length, d), dtype=jnp.float32)
    pe = pe.at[:, 0::2].set(jnp.sin(pos * div))
    pe = pe.at[:, 1::2].set(jnp.cos(pos * div))
    return pe


def setup_inputs(seed: int = 0) -> dict:
    key = jax.random.key(seed)
    k1, k2, k3 = jax.random.split(key, 3)
    # indices in [0, CODEBOOK-1) so padding_idx row (CODEBOOK-1) is never hit
    x = jax.random.randint(k1, (BS, SL, N_PATCH), 0, CODEBOOK - 1, dtype=jnp.int32)
    W_emb = jax.random.normal(k2, (CODEBOOK, D_EMB), dtype=jnp.float32)
    W_emb = W_emb.at[CODEBOOK - 1].set(0.0)  # padding_idx row zeroed
    alpha = jnp.ones((1,), dtype=jnp.float32)  # SinePositionalEmbedding alpha (trainable, init 1)
    W_out = jax.random.normal(k3, (DIM, E_DIM), dtype=jnp.float32) * 0.02
    return {"x": x, "W_emb": W_emb, "alpha": alpha, "W_out": W_out}


def reference(x, W_emb, alpha, W_out):
    bs, sl, P = x.shape
    x_ = x.reshape(bs, -1)                      # (bs, sl*P)
    y = jnp.take(W_emb, x_, axis=0)             # embedding gather -> (bs, sl*P, D_EMB)
    pe = sine_pe(x_.shape[1], D_EMB)            # (sl*P, D_EMB)
    y = y + alpha[0] * pe[None, :, :]           # SinePositionalEmbedding: x*1.0 + alpha*pe
    y = y.reshape(bs, sl, -1)                   # (bs, sl, E_DIM)
    y = y @ W_out.T                             # out_lin: Linear(E_DIM, DIM, bias=False)
    return y

if __name__ == "__main__":
    import jax
    _d = setup_inputs()
    print(jax.jit(kernel)(*tuple(_d.values())))

</pallas_src>

<mosaic_0001>
#map = affine_map<(d0, d1) -> (0, 0)>
module attributes {stable_mosaic.version = 14 : i64} {
  func.func @gather_k(%arg0: i32, %arg1: i32, %arg2: memref<8192x128xi32, #tpu.memory_space<hbm>>, %arg3: memref<512x128xi32, #tpu.memory_space<hbm>>, %arg4: memref<65536x128xi32, #tpu.memory_space<hbm>>, %arg5: memref<16x128xi32, #tpu.memory_space<vmem>>, %arg6: memref<128x128xi32, #tpu.memory_space<vmem>>, %arg7: memref<128x128xi32, #tpu.memory_space<vmem>>, %arg8: memref<!tpu.dma_semaphore, #tpu.memory_space<semaphore_mem>>, %arg9: memref<!tpu.dma_semaphore, #tpu.memory_space<semaphore_mem>>) attributes {dimension_semantics = [#tpu.dimension_semantics<core_parallel>, #tpu.dimension_semantics<subcore_parallel>], iteration_bounds = array<i64: 2, 16>, scalar_prefetch = 0 : i64, scratch_operands = 5 : i64, tpu.core_type = #tpu.core_type<sc_vector_subcore>, window_params = [{transform_indices = #map}, {transform_indices = #map}, {transform_indices = #map}]} {
    %mul3A = arith.constant 2 : i32
    %mul3A_0 = arith.muli %arg1, %mul3A : i32
    %add3A = arith.addi %mul3A_0, %arg0 : i32
    %mul3A_1 = arith.constant 16 : i32
    %mul3A_2 = arith.muli %add3A, %mul3A_1 : i32
    "tpu.region"() ({
      %run_scoped3A = tpu.sem_alloc : memref<!tpu.dma_semaphore, #tpu.memory_space<semaphore_mem>>
      %dma_start3A_289 = arith.constant 0 : i32
      %dma_start3A_290 = tpu.memref_slice %arg3[%mul3A_2, %dma_start3A_289] : memref<512x128xi32, #tpu.memory_space<hbm>> -> memref<16x128xi32, #tpu.memory_space<hbm>>
      %dma_start3A_291 = arith.constant 0 : i32
      %dma_start3A_292 = tpu.memref_slice %arg3[%mul3A_2, %dma_start3A_291] : memref<512x128xi32, #tpu.memory_space<hbm>> -> memref<16x128xi32, #tpu.memory_space<hbm>>
      tpu.enqueue_dma source(%dma_start3A_292 : memref<16x128xi32, #tpu.memory_space<hbm>>) target(%arg5 : memref<16x128xi32, #tpu.memory_space<vmem>>) target_semaphore(%run_scoped3A : memref<!tpu.dma_semaphore, #tpu.memory_space<semaphore_mem>>)
      %dma_wait3A_293 = arith.constant 0 : i32
      %dma_wait3A_294 = tpu.memref_slice %arg3[%mul3A_2, %dma_wait3A_293] : memref<512x128xi32, #tpu.memory_space<hbm>> -> memref<16x128xi32, #tpu.memory_space<hbm>>
      %dma_wait3A_295 = arith.constant 0 : i32
      %dma_wait3A_296 = tpu.memref_slice %arg3[%mul3A_2, %dma_wait3A_295] : memref<512x128xi32, #tpu.memory_space<hbm>> -> memref<16x128xi32, #tpu.memory_space<hbm>>
      tpu.wait_dma2 semaphore(%run_scoped3A : memref<!tpu.dma_semaphore, #tpu.memory_space<semaphore_mem>>) src(%dma_wait3A_296 : memref<16x128xi32, #tpu.memory_space<hbm>>) dst(%arg5 : memref<16x128xi32, #tpu.memory_space<vmem>>)
      tpu.yield
    }) : () -> ()
    %dma_start3A = arith.constant 0 : i32
    %dma_start3A_3 = arith.constant 0 : i32
    %dma_start3A_4 = tpu.memref_slice %arg5[%dma_start3A, %dma_start3A_3] : memref<16x128xi32, #tpu.memory_space<vmem>> -> memref<1x128xi32, #tpu.memory_space<vmem>>
    %dma_start3A_5 = tpu.memref_squeeze %dma_start3A_4 : memref<1x128xi32, #tpu.memory_space<vmem>> -> memref<128xi32, #tpu.memory_space<vmem>>
    %dma_start3A_6 = arith.constant 0 : i32
    %dma_start3A_7 = arith.constant 0 : i32
    %dma_start3A_8 = tpu.memref_slice %arg2[%dma_start3A_6, %dma_start3A_7] : memref<8192x128xi32, #tpu.memory_space<hbm>> -> memref<8192x128xi32, #tpu.memory_space<hbm>>
    tpu.enqueue_indirect_dma source(%dma_start3A_8 : memref<8192x128xi32, #tpu.memory_space<hbm>>) target(%arg6 : memref<128x128xi32, #tpu.memory_space<vmem>>) offsets(%dma_start3A_5 : memref<128xi32, #tpu.memory_space<vmem>>) semaphore(%arg8 : memref<!tpu.dma_semaphore, #tpu.memory_space<semaphore_mem>>)
    %dma_start3A_9 = arith.constant 1 : i32
    %dma_start3A_10 = arith.constant 0 : i32
    %dma_start3A_11 = tpu.memref_slice %arg5[%dma_start3A_9, %dma_start3A_10] : memref<16x128xi32, #tpu.memory_space<vmem>> -> memref<1x128xi32, #tpu.memory_space<vmem>>
    %dma_start3A_12 = tpu.memref_squeeze %dma_start3A_11 : memref<1x128xi32, #tpu.memory_space<vmem>> -> memref<128xi32, #tpu.memory_space<vmem>>
    %dma_start3A_13 = arith.constant 0 : i32
    %dma_start3A_14 = arith.constant 0 : i32
    %dma_start3A_15 = tpu.memref_slice %arg2[%dma_start3A_13, %dma_start3A_14] : memref<8192x128xi32, #tpu.memory_space<hbm>> -> memref<8192x128xi32, #tpu.memory_space<hbm>>
    tpu.enqueue_indirect_dma source(%dma_start3A_15 : memref<8192x128xi32, #tpu.memory_space<hbm>>) target(%arg7 : memref<128x128xi32, #tpu.memory_space<vmem>>) offsets(%dma_start3A_12 : memref<128xi32, #tpu.memory_space<vmem>>) semaphore(%arg9 : memref<!tpu.dma_semaphore, #tpu.memory_space<semaphore_mem>>)
    %dma_wait3A = arith.constant 0 : i32
    %dma_wait3A_16 = arith.constant 0 : i32
    %dma_wait3A_17 = tpu.memref_slice %arg5[%dma_wait3A, %dma_wait3A_16] : memref<16x128xi32, #tpu.memory_space<vmem>> -> memref<1x128xi32, #tpu.memory_space<vmem>>
    %dma_wait3A_18 = tpu.memref_squeeze %dma_wait3A_17 : memref<1x128xi32, #tpu.memory_space<vmem>> -> memref<128xi32, #tpu.memory_space<vmem>>
    %dma_wait3A_19 = arith.constant 0 : i32
    %dma_wait3A_20 = arith.constant 0 : i32
    %dma_wait3A_21 = tpu.memref_slice %arg2[%dma_wait3A_19, %dma_wait3A_20] : memref<8192x128xi32, #tpu.memory_space<hbm>> -> memref<8192x128xi32, #tpu.memory_space<hbm>>
    tpu.wait_indirect_dma semaphore(%arg8 : memref<!tpu.dma_semaphore, #tpu.memory_space<semaphore_mem>>) src(%dma_wait3A_21 : memref<8192x128xi32, #tpu.memory_space<hbm>>) dst(%arg6 : memref<128x128xi32, #tpu.memory_space<vmem>>)
    %mul3A_22 = arith.constant 2048 : i32
    %mul3A_23 = arith.muli %add3A, %mul3A_22 : i32
    %add3A_24 = arith.constant 0 : i32
    %add3A_25 = arith.addi %mul3A_23, %add3A_24 : i32
    "tpu.region"() ({
      %run_scoped3A = tpu.sem_alloc : memref<!tpu.dma_semaphore, #tpu.memory_space<semaphore_mem>>
      %dma_start3A_289 = arith.constant 0 : i32
      %dma_start3A_290 = tpu.memref_slice %arg4[%add3A_25, %dma_start3A_289] : memref<65536x128xi32, #tpu.memory_space<hbm>> -> memref<128x128xi32, #tpu.memory_space<hbm>>
      %dma_start3A_291 = arith.constant 0 : i32
      %dma_start3A_292 = tpu.memref_slice %arg4[%add3A_25, %dma_start3A_291] : memref<65536x128xi32, #tpu.memory_space<hbm>> -> memref<128x128xi32, #tpu.memory_space<hbm>>
      tpu.enqueue_dma source(%arg6 : memref<128x128xi32, #tpu.memory_space<vmem>>) target(%dma_start3A_292 : memref<128x128xi32, #tpu.memory_space<hbm>>) target_semaphore(%run_scoped3A : memref<!tpu.dma_semaphore, #tpu.memory_space<semaphore_mem>>)
      %dma_wait3A_293 = arith.constant 0 : i32
      %dma_wait3A_294 = tpu.memref_slice %arg4[%add3A_25, %dma_wait3A_293] : memref<65536x128xi32, #tpu.memory_space<hbm>> -> memref<128x128xi32, #tpu.memory_space<hbm>>
      %dma_wait3A_295 = arith.constant 0 : i32
      %dma_wait3A_296 = tpu.memref_slice %arg4[%add3A_25, %dma_wait3A_295] : memref<65536x128xi32, #tpu.memory_space<hbm>> -> memref<128x128xi32, #tpu.memory_space<hbm>>
      tpu.wait_dma2 semaphore(%run_scoped3A : memref<!tpu.dma_semaphore, #tpu.memory_space<semaphore_mem>>) src(%arg6 : memref<128x128xi32, #tpu.memory_space<vmem>>) dst(%dma_wait3A_296 : memref<128x128xi32, #tpu.memory_space<hbm>>)
      tpu.yield
    }) : () -> ()
    %dma_start3A_26 = arith.constant 2 : i32
    %dma_start3A_27 = arith.constant 0 : i32
    %dma_start3A_28 = tpu.memref_slice %arg5[%dma_start3A_26, %dma_start3A_27] : memref<16x128xi32, #tpu.memory_space<vmem>> -> memref<1x128xi32, #tpu.memory_space<vmem>>
    %dma_start3A_29 = tpu.memref_squeeze %dma_start3A_28 : memref<1x128xi32, #tpu.memory_space<vmem>> -> memref<128xi32, #tpu.memory_space<vmem>>
    %dma_start3A_30 = arith.constant 0 : i32
    %dma_start3A_31 = arith.constant 0 : i32
    %dma_start3A_32 = tpu.memref_slice %arg2[%dma_start3A_30, %dma_start3A_31] : memref<8192x128xi32, #tpu.memory_space<hbm>> -> memref<8192x128xi32, #tpu.memory_space<hbm>>
    tpu.enqueue_indirect_dma source(%dma_start3A_32 : memref<8192x128xi32, #tpu.memory_space<hbm>>) target(%arg6 : memref<128x128xi32, #tpu.memory_space<vmem>>) offsets(%dma_start3A_29 : memref<128xi32, #tpu.memory_space<vmem>>) semaphore(%arg8 : memref<!tpu.dma_semaphore, #tpu.memory_space<semaphore_mem>>)
    %dma_wait3A_33 = arith.constant 1 : i32
    %dma_wait3A_34 = arith.constant 0 : i32
    %dma_wait3A_35 = tpu.memref_slice %arg5[%dma_wait3A_33, %dma_wait3A_34] : memref<16x128xi32, #tpu.memory_space<vmem>> -> memref<1x128xi32, #tpu.memory_space<vmem>>
    %dma_wait3A_36 = tpu.memref_squeeze %dma_wait3A_35 : memref<1x128xi32, #tpu.memory_space<vmem>> -> memref<128xi32, #tpu.memory_space<vmem>>
    %dma_wait3A_37 = arith.constant 0 : i32
    %dma_wait3A_38 = arith.constant 0 : i32
    %dma_wait3A_39 = tpu.memref_slice %arg2[%dma_wait3A_37, %dma_wait3A_38] : memref<8192x128xi32, #tpu.memory_space<hbm>> -> memref<8192x128xi32, #tpu.memory_space<hbm>>
    tpu.wait_indirect_dma semaphore(%arg9 : memref<!tpu.dma_semaphore, #tpu.memory_space<semaphore_mem>>) src(%dma_wait3A_39 : memref<8192x128xi32, #tpu.memory_space<hbm>>) dst(%arg7 : memref<128x128xi32, #tpu.memory_space<vmem>>)
    %mul3A_40 = arith.constant 2048 : i32
    %mul3A_41 = arith.muli %add3A, %mul3A_40 : i32
    %add3A_42 = arith.constant 128 : i32
    %add3A_43 = arith.addi %mul3A_41, %add3A_42 : i32
    "tpu.region"() ({
      %run_scoped3A = tpu.sem_alloc : memref<!tpu.dma_semaphore, #tpu.memory_space<semaphore_mem>>
      %dma_start3A_289 = arith.constant 0 : i32
      %dma_start3A_290 = tpu.memref_slice %arg4[%add3A_43, %dma_start3A_289] : memref<65536x128xi32, #tpu.memory_space<hbm>> -> memref<128x128xi32, #tpu.memory_space<hbm>>
      %dma_start3A_291 = arith.constant 0 : i32
      %dma_start3A_292 = tpu.memref_slice %arg4[%add3A_43, %dma_start3A_291] : memref<65536x128xi32, #tpu.memory_space<hbm>> -> memref<128x128xi32, #tpu.memory_space<hbm>>
      tpu.enqueue_dma source(%arg7 : memref<128x128xi32, #tpu.memory_space<vmem>>) target(%dma_start3A_292 : memref<128x128xi32, #tpu.memory_space<hbm>>) target_semaphore(%run_scoped3A : memref<!tpu.dma_semaphore, #tpu.memory_space<semaphore_mem>>)
      %dma_wait3A_293 = arith.constant 0 : i32
      %dma_wait3A_294 = tpu.memref_slice %arg4[%add3A_43, %dma_wait3A_293] : memref<65536x128xi32, #tpu.memory_space<hbm>> -> memref<128x128xi32, #tpu.memory_space<hbm>>
      %dma_wait3A_295 = arith.constant 0 : i32
      %dma_wait3A_296 = tpu.memref_slice %arg4[%add3A_43, %dma_wait3A_295] : memref<65536x128xi32, #tpu.memory_space<hbm>> -> memref<128x128xi32, #tpu.memory_space<hbm>>
      tpu.wait_dma2 semaphore(%run_scoped3A : memref<!tpu.dma_semaphore, #tpu.memory_space<semaphore_mem>>) src(%arg7 : memref<128x128xi32, #tpu.memory_space<vmem>>) dst(%dma_wait3A_296 : memref<128x128xi32, #tpu.memory_space<hbm>>)
      tpu.yield
    }) : () -> ()
    %dma_start3A_44 = arith.constant 3 : i32
    %dma_start3A_45 = arith.constant 0 : i32
    %dma_start3A_46 = tpu.memref_slice %arg5[%dma_start3A_44, %dma_start3A_45] : memref<16x128xi32, #tpu.memory_space<vmem>> -> memref<1x128xi32, #tpu.memory_space<vmem>>
    %dma_start3A_47 = tpu.memref_squeeze %dma_start3A_46 : memref<1x128xi32, #tpu.memory_space<vmem>> -> memref<128xi32, #tpu.memory_space<vmem>>
    %dma_start3A_48 = arith.constant 0 : i32
    %dma_start3A_49 = arith.constant 0 : i32
    %dma_start3A_50 = tpu.memref_slice %arg2[%dma_start3A_48, %dma_start3A_49] : memref<8192x128xi32, #tpu.memory_space<hbm>> -> memref<8192x128xi32, #tpu.memory_space<hbm>>
    tpu.enqueue_indirect_dma source(%dma_start3A_50 : memref<8192x128xi32, #tpu.memory_space<hbm>>) target(%arg7 : memref<128x128xi32, #tpu.memory_space<vmem>>) offsets(%dma_start3A_47 : memref<128xi32, #tpu.memory_space<vmem>>) semaphore(%arg9 : memref<!tpu.dma_semaphore, #tpu.memory_space<semaphore_mem>>)
    %dma_wait3A_51 = arith.constant 2 : i32
    %dma_wait3A_52 = arith.constant 0 : i32
    %dma_wait3A_53 = tpu.memref_slice %arg5[%dma_wait3A_51, %dma_wait3A_52] : memref<16x128xi32, #tpu.memory_space<vmem>> -> memref<1x128xi32, #tpu.memory_space<vmem>>
    %dma_wait3A_54 = tpu.memref_squeeze %dma_wait3A_53 : memref<1x128xi32, #tpu.memory_space<vmem>> -> memref<128xi32, #tpu.memory_space<vmem>>
    %dma_wait3A_55 = arith.constant 0 : i32
    %dma_wait3A_56 = arith.constant 0 : i32
    %dma_wait3A_57 = tpu.memref_slice %arg2[%dma_wait3A_55, %dma_wait3A_56] : memref<8192x128xi32, #tpu.memory_space<hbm>> -> memref<8192x128xi32, #tpu.memory_space<hbm>>
    tpu.wait_indirect_dma semaphore(%arg8 : memref<!tpu.dma_semaphore, #tpu.memory_space<semaphore_mem>>) src(%dma_wait3A_57 : memref<8192x128xi32, #tpu.memory_space<hbm>>) dst(%arg6 : memref<128x128xi32, #tpu.memory_space<vmem>>)
    %mul3A_58 = arith.constant 2048 : i32
    %mul3A_59 = arith.muli %add3A, %mul3A_58 : i32
    %add3A_60 = arith.constant 256 : i32
    %add3A_61 = arith.addi %mul3A_59, %add3A_60 : i32
    "tpu.region"() ({
      %run_scoped3A = tpu.sem_alloc : memref<!tpu.dma_semaphore, #tpu.memory_space<semaphore_mem>>
      %dma_start3A_289 = arith.constant 0 : i32
      %dma_start3A_290 = tpu.memref_slice %arg4[%add3A_61, %dma_start3A_289] : memref<65536x128xi32, #tpu.memory_space<hbm>> -> memref<128x128xi32, #tpu.memory_space<hbm>>
      %dma_start3A_291 = arith.constant 0 : i32
      %dma_start3A_292 = tpu.memref_slice %arg4[%add3A_61, %dma_start3A_291] : memref<65536x128xi32, #tpu.memory_space<hbm>> -> memref<128x128xi32, #tpu.memory_space<hbm>>
      tpu.enqueue_dma source(%arg6 : memref<128x128xi32, #tpu.memory_space<vmem>>) target(%dma_start3A_292 : memref<128x128xi32, #tpu.memory_space<hbm>>) target_semaphore(%run_scoped3A : memref<!tpu.dma_semaphore, #tpu.memory_space<semaphore_mem>>)
      %dma_wait3A_293 = arith.constant 0 : i32
      %dma_wait3A_294 = tpu.memref_slice %arg4[%add3A_61, %dma_wait3A_293] : memref<65536x128xi32, #tpu.memory_space<hbm>> -> memref<128x128xi32, #tpu.memory_space<hbm>>
      %dma_wait3A_295 = arith.constant 0 : i32
      %dma_wait3A_296 = tpu.memref_slice %arg4[%add3A_61, %dma_wait3A_295] : memref<65536x128xi32, #tpu.memory_space<hbm>> -> memref<128x128xi32, #tpu.memory_space<hbm>>
      tpu.wait_dma2 semaphore(%run_scoped3A : memref<!tpu.dma_semaphore, #tpu.memory_space<semaphore_mem>>) src(%arg6 : memref<128x128xi32, #tpu.memory_space<vmem>>) dst(%dma_wait3A_296 : memref<128x128xi32, #tpu.memory_space<hbm>>)
      tpu.yield
    }) : () -> ()
    %dma_start3A_62 = arith.constant 4 : i32
    %dma_start3A_63 = arith.constant 0 : i32
    %dma_start3A_64 = tpu.memref_slice %arg5[%dma_start3A_62, %dma_start3A_63] : memref<16x128xi32, #tpu.memory_space<vmem>> -> memref<1x128xi32, #tpu.memory_space<vmem>>
    %dma_start3A_65 = tpu.memref_squeeze %dma_start3A_64 : memref<1x128xi32, #tpu.memory_space<vmem>> -> memref<128xi32, #tpu.memory_space<vmem>>
    %dma_start3A_66 = arith.constant 0 : i32
    %dma_start3A_67 = arith.constant 0 : i32
    %dma_start3A_68 = tpu.memref_slice %arg2[%dma_start3A_66, %dma_start3A_67] : memref<8192x128xi32, #tpu.memory_space<hbm>> -> memref<8192x128xi32, #tpu.memory_space<hbm>>
    tpu.enqueue_indirect_dma source(%dma_start3A_68 : memref<8192x128xi32, #tpu.memory_space<hbm>>) target(%arg6 : memref<128x128xi32, #tpu.memory_space<vmem>>) offsets(%dma_start3A_65 : memref<128xi32, #tpu.memory_space<vmem>>) semaphore(%arg8 : memref<!tpu.dma_semaphore, #tpu.memory_space<semaphore_mem>>)
    %dma_wait3A_69 = arith.constant 3 : i32
    %dma_wait3A_70 = arith.constant 0 : i32
    %dma_wait3A_71 = tpu.memref_slice %arg5[%dma_wait3A_69, %dma_wait3A_70] : memref<16x128xi32, #tpu.memory_space<vmem>> -> memref<1x128xi32, #tpu.memory_space<vmem>>
    %dma_wait3A_72 = tpu.memref_squeeze %dma_wait3A_71 : memref<1x128xi32, #tpu.memory_space<vmem>> -> memref<128xi32, #tpu.memory_space<vmem>>
    %dma_wait3A_73 = arith.constant 0 : i32
    %dma_wait3A_74 = arith.constant 0 : i32
    %dma_wait3A_75 = tpu.memref_slice %arg2[%dma_wait3A_73, %dma_wait3A_74] : memref<8192x128xi32, #tpu.memory_space<hbm>> -> memref<8192x128xi32, #tpu.memory_space<hbm>>
    tpu.wait_indirect_dma semaphore(%arg9 : memref<!tpu.dma_semaphore, #tpu.memory_space<semaphore_mem>>) src(%dma_wait3A_75 : memref<8192x128xi32, #tpu.memory_space<hbm>>) dst(%arg7 : memref<128x128xi32, #tpu.memory_space<vmem>>)
    %mul3A_76 = arith.constant 2048 : i32
    %mul3A_77 = arith.muli %add3A, %mul3A_76 : i32
    %add3A_78 = arith.constant 384 : i32
    %add3A_79 = arith.addi %mul3A_77, %add3A_78 : i32
    "tpu.region"() ({
      %run_scoped3A = tpu.sem_alloc : memref<!tpu.dma_semaphore, #tpu.memory_space<semaphore_mem>>
      %dma_start3A_289 = arith.constant 0 : i32
      %dma_start3A_290 = tpu.memref_slice %arg4[%add3A_79, %dma_start3A_289] : memref<65536x128xi32, #tpu.memory_space<hbm>> -> memref<128x128xi32, #tpu.memory_space<hbm>>
      %dma_start3A_291 = arith.constant 0 : i32
      %dma_start3A_292 = tpu.memref_slice %arg4[%add3A_79, %dma_start3A_291] : memref<65536x128xi32, #tpu.memory_space<hbm>> -> memref<128x128xi32, #tpu.memory_space<hbm>>
      tpu.enqueue_dma source(%arg7 : memref<128x128xi32, #tpu.memory_space<vmem>>) target(%dma_start3A_292 : memref<128x128xi32, #tpu.memory_space<hbm>>) target_semaphore(%run_scoped3A : memref<!tpu.dma_semaphore, #tpu.memory_space<semaphore_mem>>)
      %dma_wait3A_293 = arith.constant 0 : i32
      %dma_wait3A_294 = tpu.memref_slice %arg4[%add3A_79, %dma_wait3A_293] : memref<65536x128xi32, #tpu.memory_space<hbm>> -> memref<128x128xi32, #tpu.memory_space<hbm>>
      %dma_wait3A_295 = arith.constant 0 : i32
      %dma_wait3A_296 = tpu.memref_slice %arg4[%add3A_79, %dma_wait3A_295] : memref<65536x128xi32, #tpu.memory_space<hbm>> -> memref<128x128xi32, #tpu.memory_space<hbm>>
      tpu.wait_dma2 semaphore(%run_scoped3A : memref<!tpu.dma_semaphore, #tpu.memory_space<semaphore_mem>>) src(%arg7 : memref<128x128xi32, #tpu.memory_space<vmem>>) dst(%dma_wait3A_296 : memref<128x128xi32, #tpu.memory_space<hbm>>)
      tpu.yield
    }) : () -> ()
    %dma_start3A_80 = arith.constant 5 : i32
    %dma_start3A_81 = arith.constant 0 : i32
    %dma_start3A_82 = tpu.memref_slice %arg5[%dma_start3A_80, %dma_start3A_81] : memref<16x128xi32, #tpu.memory_space<vmem>> -> memref<1x128xi32, #tpu.memory_space<vmem>>
    %dma_start3A_83 = tpu.memref_squeeze %dma_start3A_82 : memref<1x128xi32, #tpu.memory_space<vmem>> -> memref<128xi32, #tpu.memory_space<vmem>>
    %dma_start3A_84 = arith.constant 0 : i32
    %dma_start3A_85 = arith.constant 0 : i32
    %dma_start3A_86 = tpu.memref_slice %arg2[%dma_start3A_84, %dma_start3A_85] : memref<8192x128xi32, #tpu.memory_space<hbm>> -> memref<8192x128xi32, #tpu.memory_space<hbm>>
    tpu.enqueue_indirect_dma source(%dma_start3A_86 : memref<8192x128xi32, #tpu.memory_space<hbm>>) target(%arg7 : memref<128x128xi32, #tpu.memory_space<vmem>>) offsets(%dma_start3A_83 : memref<128xi32, #tpu.memory_space<vmem>>) semaphore(%arg9 : memref<!tpu.dma_semaphore, #tpu.memory_space<semaphore_mem>>)
    %dma_wait3A_87 = arith.constant 4 : i32
    %dma_wait3A_88 = arith.constant 0 : i32
    %dma_wait3A_89 = tpu.memref_slice %arg5[%dma_wait3A_87, %dma_wait3A_88] : memref<16x128xi32, #tpu.memory_space<vmem>> -> memref<1x128xi32, #tpu.memory_space<vmem>>
    %dma_wait3A_90 = tpu.memref_squeeze %dma_wait3A_89 : memref<1x128xi32, #tpu.memory_space<vmem>> -> memref<128xi32, #tpu.memory_space<vmem>>
    %dma_wait3A_91 = arith.constant 0 : i32
    %dma_wait3A_92 = arith.constant 0 : i32
    %dma_wait3A_93 = tpu.memref_slice %arg2[%dma_wait3A_91, %dma_wait3A_92] : memref<8192x128xi32, #tpu.memory_space<hbm>> -> memref<8192x128xi32, #tpu.memory_space<hbm>>
    tpu.wait_indirect_dma semaphore(%arg8 : memref<!tpu.dma_semaphore, #tpu.memory_space<semaphore_mem>>) src(%dma_wait3A_93 : memref<8192x128xi32, #tpu.memory_space<hbm>>) dst(%arg6 : memref<128x128xi32, #tpu.memory_space<vmem>>)
    %mul3A_94 = arith.constant 2048 : i32
    %mul3A_95 = arith.muli %add3A, %mul3A_94 : i32
    %add3A_96 = arith.constant 512 : i32
    %add3A_97 = arith.addi %mul3A_95, %add3A_96 : i32
    "tpu.region"() ({
      %run_scoped3A = tpu.sem_alloc : memref<!tpu.dma_semaphore, #tpu.memory_space<semaphore_mem>>
      %dma_start3A_289 = arith.constant 0 : i32
      %dma_start3A_290 = tpu.memref_slice %arg4[%add3A_97, %dma_start3A_289] : memref<65536x128xi32, #tpu.memory_space<hbm>> -> memref<128x128xi32, #tpu.memory_space<hbm>>
      %dma_start3A_291 = arith.constant 0 : i32
      %dma_start3A_292 = tpu.memref_slice %arg4[%add3A_97, %dma_start3A_291] : memref<65536x128xi32, #tpu.memory_space<hbm>> -> memref<128x128xi32, #tpu.memory_space<hbm>>
      tpu.enqueue_dma source(%arg6 : memref<128x128xi32, #tpu.memory_space<vmem>>) target(%dma_start3A_292 : memref<128x128xi32, #tpu.memory_space<hbm>>) target_semaphore(%run_scoped3A : memref<!tpu.dma_semaphore, #tpu.memory_space<semaphore_mem>>)
      %dma_wait3A_293 = arith.constant 0 : i32
      %dma_wait3A_294 = tpu.memref_slice %arg4[%add3A_97, %dma_wait3A_293] : memref<65536x128xi32, #tpu.memory_space<hbm>> -> memref<128x128xi32, #tpu.memory_space<hbm>>
      %dma_wait3A_295 = arith.constant 0 : i32
      %dma_wait3A_296 = tpu.memref_slice %arg4[%add3A_97, %dma_wait3A_295] : memref<65536x128xi32, #tpu.memory_space<hbm>> -> memref<128x128xi32, #tpu.memory_space<hbm>>
      tpu.wait_dma2 semaphore(%run_scoped3A : memref<!tpu.dma_semaphore, #tpu.memory_space<semaphore_mem>>) src(%arg6 : memref<128x128xi32, #tpu.memory_space<vmem>>) dst(%dma_wait3A_296 : memref<128x128xi32, #tpu.memory_space<hbm>>)
      tpu.yield
    }) : () -> ()
    %dma_start3A_98 = arith.constant 6 : i32
    %dma_start3A_99 = arith.constant 0 : i32
    %dma_start3A_100 = tpu.memref_slice %arg5[%dma_start3A_98, %dma_start3A_99] : memref<16x128xi32, #tpu.memory_space<vmem>> -> memref<1x128xi32, #tpu.memory_space<vmem>>
    %dma_start3A_101 = tpu.memref_squeeze %dma_start3A_100 : memref<1x128xi32, #tpu.memory_space<vmem>> -> memref<128xi32, #tpu.memory_space<vmem>>
    %dma_start3A_102 = arith.constant 0 : i32
    %dma_start3A_103 = arith.constant 0 : i32
    %dma_start3A_104 = tpu.memref_slice %arg2[%dma_start3A_102, %dma_start3A_103] : memref<8192x128xi32, #tpu.memory_space<hbm>> -> memref<8192x128xi32, #tpu.memory_space<hbm>>
    tpu.enqueue_indirect_dma source(%dma_start3A_104 : memref<8192x128xi32, #tpu.memory_space<hbm>>) target(%arg6 : memref<128x128xi32, #tpu.memory_space<vmem>>) offsets(%dma_start3A_101 : memref<128xi32, #tpu.memory_space<vmem>>) semaphore(%arg8 : memref<!tpu.dma_semaphore, #tpu.memory_space<semaphore_mem>>)
    %dma_wait3A_105 = arith.constant 5 : i32
    %dma_wait3A_106 = arith.constant 0 : i32
    %dma_wait3A_107 = tpu.memref_slice %arg5[%dma_wait3A_105, %dma_wait3A_106] : memref<16x128xi32, #tpu.memory_space<vmem>> -> memref<1x128xi32, #tpu.memory_space<vmem>>
    %dma_wait3A_108 = tpu.memref_squeeze %dma_wait3A_107 : memref<1x128xi32, #tpu.memory_space<vmem>> -> memref<128xi32, #tpu.memory_space<vmem>>
    %dma_wait3A_109 = arith.constant 0 : i32
    %dma_wait3A_110 = arith.constant 0 : i32
    %dma_wait3A_111 = tpu.memref_slice %arg2[%dma_wait3A_109, %dma_wait3A_110] : memref<8192x128xi32, #tpu.memory_space<hbm>> -> memref<8192x128xi32, #tpu.memory_space<hbm>>
    tpu.wait_indirect_dma semaphore(%arg9 : memref<!tpu.dma_semaphore, #tpu.memory_space<semaphore_mem>>) src(%dma_wait3A_111 : memref<8192x128xi32, #tpu.memory_space<hbm>>) dst(%arg7 : memref<128x128xi32, #tpu.memory_space<vmem>>)
    %mul3A_112 = arith.constant 2048 : i32
    %mul3A_113 = arith.muli %add3A, %mul3A_112 : i32
    %add3A_114 = arith.constant 640 : i32
    %add3A_115 = arith.addi %mul3A_113, %add3A_114 : i32
    "tpu.region"() ({
      %run_scoped3A = tpu.sem_alloc : memref<!tpu.dma_semaphore, #tpu.memory_space<semaphore_mem>>
      %dma_start3A_289 = arith.constant 0 : i32
      %dma_start3A_290 = tpu.memref_slice %arg4[%add3A_115, %dma_start3A_289] : memref<65536x128xi32, #tpu.memory_space<hbm>> -> memref<128x128xi32, #tpu.memory_space<hbm>>
      %dma_start3A_291 = arith.constant 0 : i32
      %dma_start3A_292 = tpu.memref_slice %arg4[%add3A_115, %dma_start3A_291] : memref<65536x128xi32, #tpu.memory_space<hbm>> -> memref<128x128xi32, #tpu.memory_space<hbm>>
      tpu.enqueue_dma source(%arg7 : memref<128x128xi32, #tpu.memory_space<vmem>>) target(%dma_start3A_292 : memref<128x128xi32, #tpu.memory_space<hbm>>) target_semaphore(%run_scoped3A : memref<!tpu.dma_semaphore, #tpu.memory_space<semaphore_mem>>)
      %dma_wait3A_293 = arith.constant 0 : i32
      %dma_wait3A_294 = tpu.memref_slice %arg4[%add3A_115, %dma_wait3A_293] : memref<65536x128xi32, #tpu.memory_space<hbm>> -> memref<128x128xi32, #tpu.memory_space<hbm>>
      %dma_wait3A_295 = arith.constant 0 : i32
      %dma_wait3A_296 = tpu.memref_slice %arg4[%add3A_115, %dma_wait3A_295] : memref<65536x128xi32, #tpu.memory_space<hbm>> -> memref<128x128xi32, #tpu.memory_space<hbm>>
      tpu.wait_dma2 semaphore(%run_scoped3A : memref<!tpu.dma_semaphore, #tpu.memory_space<semaphore_mem>>) src(%arg7 : memref<128x128xi32, #tpu.memory_space<vmem>>) dst(%dma_wait3A_296 : memref<128x128xi32, #tpu.memory_space<hbm>>)
      tpu.yield
    }) : () -> ()
    %dma_start3A_116 = arith.constant 7 : i32
    %dma_start3A_117 = arith.constant 0 : i32
    %dma_start3A_118 = tpu.memref_slice %arg5[%dma_start3A_116, %dma_start3A_117] : memref<16x128xi32, #tpu.memory_space<vmem>> -> memref<1x128xi32, #tpu.memory_space<vmem>>
    %dma_start3A_119 = tpu.memref_squeeze %dma_start3A_118 : memref<1x128xi32, #tpu.memory_space<vmem>> -> memref<128xi32, #tpu.memory_space<vmem>>
    %dma_start3A_120 = arith.constant 0 : i32
    %dma_start3A_121 = arith.constant 0 : i32
    %dma_start3A_122 = tpu.memref_slice %arg2[%dma_start3A_120, %dma_start3A_121] : memref<8192x128xi32, #tpu.memory_space<hbm>> -> memref<8192x128xi32, #tpu.memory_space<hbm>>
    tpu.enqueue_indirect_dma source(%dma_start3A_122 : memref<8192x128xi32, #tpu.memory_space<hbm>>) target(%arg7 : memref<128x128xi32, #tpu.memory_space<vmem>>) offsets(%dma_start3A_119 : memref<128xi32, #tpu.memory_space<vmem>>) semaphore(%arg9 : memref<!tpu.dma_semaphore, #tpu.memory_space<semaphore_mem>>)
    %dma_wait3A_123 = arith.constant 6 : i32
    %dma_wait3A_124 = arith.constant 0 : i32
    %dma_wait3A_125 = tpu.memref_slice %arg5[%dma_wait3A_123, %dma_wait3A_124] : memref<16x128xi32, #tpu.memory_space<vmem>> -> memref<1x128xi32, #tpu.memory_space<vmem>>
    %dma_wait3A_126 = tpu.memref_squeeze %dma_wait3A_125 : memref<1x128xi32, #tpu.memory_space<vmem>> -> memref<128xi32, #tpu.memory_space<vmem>>
    %dma_wait3A_127 = arith.constant 0 : i32
    %dma_wait3A_128 = arith.constant 0 : i32
    %dma_wait3A_129 = tpu.memref_slice %arg2[%dma_wait3A_127, %dma_wait3A_128] : memref<8192x128xi32, #tpu.memory_space<hbm>> -> memref<8192x128xi32, #tpu.memory_space<hbm>>
    tpu.wait_indirect_dma semaphore(%arg8 : memref<!tpu.dma_semaphore, #tpu.memory_space<semaphore_mem>>) src(%dma_wait3A_129 : memref<8192x128xi32, #tpu.memory_space<hbm>>) dst(%arg6 : memref<128x128xi32, #tpu.memory_space<vmem>>)
    %mul3A_130 = arith.constant 2048 : i32
    %mul3A_131 = arith.muli %add3A, %mul3A_130 : i32
    %add3A_132 = arith.constant 768 : i32
    %add3A_133 = arith.addi %mul3A_131, %add3A_132 : i32
    "tpu.region"() ({
      %run_scoped3A = tpu.sem_alloc : memref<!tpu.dma_semaphore, #tpu.memory_space<semaphore_mem>>
      %dma_start3A_289 = arith.constant 0 : i32
      %dma_start3A_290 = tpu.memref_slice %arg4[%add3A_133, %dma_start3A_289] : memref<65536x128xi32, #tpu.memory_space<hbm>> -> memref<128x128xi32, #tpu.memory_space<hbm>>
      %dma_start3A_291 = arith.constant 0 : i32
      %dma_start3A_292 = tpu.memref_slice %arg4[%add3A_133, %dma_start3A_291] : memref<65536x128xi32, #tpu.memory_space<hbm>> -> memref<128x128xi32, #tpu.memory_space<hbm>>
      tpu.enqueue_dma source(%arg6 : memref<128x128xi32, #tpu.memory_space<vmem>>) target(%dma_start3A_292 : memref<128x128xi32, #tpu.memory_space<hbm>>) target_semaphore(%run_scoped3A : memref<!tpu.dma_semaphore, #tpu.memory_space<semaphore_mem>>)
      %dma_wait3A_293 = arith.constant 0 : i32
      %dma_wait3A_294 = tpu.memref_slice %arg4[%add3A_133, %dma_wait3A_293] : memref<65536x128xi32, #tpu.memory_space<hbm>> -> memref<128x128xi32, #tpu.memory_space<hbm>>
      %dma_wait3A_295 = arith.constant 0 : i32
      %dma_wait3A_296 = tpu.memref_slice %arg4[%add3A_133, %dma_wait3A_295] : memref<65536x128xi32, #tpu.memory_space<hbm>> -> memref<128x128xi32, #tpu.memory_space<hbm>>
      tpu.wait_dma2 semaphore(%run_scoped3A : memref<!tpu.dma_semaphore, #tpu.memory_space<semaphore_mem>>) src(%arg6 : memref<128x128xi32, #tpu.memory_space<vmem>>) dst(%dma_wait3A_296 : memref<128x128xi32, #tpu.memory_space<hbm>>)
      tpu.yield
    }) : () -> ()
    %dma_start3A_134 = arith.constant 8 : i32
    %dma_start3A_135 = arith.constant 0 : i32
    %dma_start3A_136 = tpu.memref_slice %arg5[%dma_start3A_134, %dma_start3A_135] : memref<16x128xi32, #tpu.memory_space<vmem>> -> memref<1x128xi32, #tpu.memory_space<vmem>>
    %dma_start3A_137 = tpu.memref_squeeze %dma_start3A_136 : memref<1x128xi32, #tpu.memory_space<vmem>> -> memref<128xi32, #tpu.memory_space<vmem>>
    %dma_start3A_138 = arith.constant 0 : i32
    %dma_start3A_139 = arith.constant 0 : i32
    %dma_start3A_140 = tpu.memref_slice %arg2[%dma_start3A_138, %dma_start3A_139] : memref<8192x128xi32, #tpu.memory_space<hbm>> -> memref<8192x128xi32, #tpu.memory_space<hbm>>
    tpu.enqueue_indirect_dma source(%dma_start3A_140 : memref<8192x128xi32, #tpu.memory_space<hbm>>) target(%arg6 : memref<128x128xi32, #tpu.memory_space<vmem>>) offsets(%dma_start3A_137 : memref<128xi32, #tpu.memory_space<vmem>>) semaphore(%arg8 : memref<!tpu.dma_semaphore, #tpu.memory_space<semaphore_mem>>)
    %dma_wait3A_141 = arith.constant 7 : i32
    %dma_wait3A_142 = arith.constant 0 : i32
    %dma_wait3A_143 = tpu.memref_slice %arg5[%dma_wait3A_141, %dma_wait3A_142] : memref<16x128xi32, #tpu.memory_space<vmem>> -> memref<1x128xi32, #tpu.memory_space<vmem>>
    %dma_wait3A_144 = tpu.memref_squeeze %dma_wait3A_143 : memref<1x128xi32, #tpu.memory_space<vmem>> -> memref<128xi32, #tpu.memory_space<vmem>>
    %dma_wait3A_145 = arith.constant 0 : i32
    %dma_wait3A_146 = arith.constant 0 : i32
    %dma_wait3A_147 = tpu.memref_slice %arg2[%dma_wait3A_145, %dma_wait3A_146] : memref<8192x128xi32, #tpu.memory_space<hbm>> -> memref<8192x128xi32, #tpu.memory_space<hbm>>
    tpu.wait_indirect_dma semaphore(%arg9 : memref<!tpu.dma_semaphore, #tpu.memory_space<semaphore_mem>>) src(%dma_wait3A_147 : memref<8192x128xi32, #tpu.memory_space<hbm>>) dst(%arg7 : memref<128x128xi32, #tpu.memory_space<vmem>>)
    %mul3A_148 = arith.constant 2048 : i32
    %mul3A_149 = arith.muli %add3A, %mul3A_148 : i32
    %add3A_150 = arith.constant 896 : i32
    %add3A_151 = arith.addi %mul3A_149, %add3A_150 : i32
    "tpu.region"() ({
      %run_scoped3A = tpu.sem_alloc : memref<!tpu.dma_semaphore, #tpu.memory_space<semaphore_mem>>
      %dma_start3A_289 = arith.constant 0 : i32
      %dma_start3A_290 = tpu.memref_slice %arg4[%add3A_151, %dma_start3A_289] : memref<65536x128xi32, #tpu.memory_space<hbm>> -> memref<128x128xi32, #tpu.memory_space<hbm>>
      %dma_start3A_291 = arith.constant 0 : i32
      %dma_start3A_292 = tpu.memref_slice %arg4[%add3A_151, %dma_start3A_291] : memref<65536x128xi32, #tpu.memory_space<hbm>> -> memref<128x128xi32, #tpu.memory_space<hbm>>
      tpu.enqueue_dma source(%arg7 : memref<128x128xi32, #tpu.memory_space<vmem>>) target(%dma_start3A_292 : memref<128x128xi32, #tpu.memory_space<hbm>>) target_semaphore(%run_scoped3A : memref<!tpu.dma_semaphore, #tpu.memory_space<semaphore_mem>>)
      %dma_wait3A_293 = arith.constant 0 : i32
      %dma_wait3A_294 = tpu.memref_slice %arg4[%add3A_151, %dma_wait3A_293] : memref<65536x128xi32, #tpu.memory_space<hbm>> -> memref<128x128xi32, #tpu.memory_space<hbm>>
      %dma_wait3A_295 = arith.constant 0 : i32
      %dma_wait3A_296 = tpu.memref_slice %arg4[%add3A_151, %dma_wait3A_295] : memref<65536x128xi32, #tpu.memory_space<hbm>> -> memref<128x128xi32, #tpu.memory_space<hbm>>
      tpu.wait_dma2 semaphore(%run_scoped3A : memref<!tpu.dma_semaphore, #tpu.memory_space<semaphore_mem>>) src(%arg7 : memref<128x128xi32, #tpu.memory_space<vmem>>) dst(%dma_wait3A_296 : memref<128x128xi32, #tpu.memory_space<hbm>>)
      tpu.yield
    }) : () -> ()
    %dma_start3A_152 = arith.constant 9 : i32
    %dma_start3A_153 = arith.constant 0 : i32
    %dma_start3A_154 = tpu.memref_slice %arg5[%dma_start3A_152, %dma_start3A_153] : memref<16x128xi32, #tpu.memory_space<vmem>> -> memref<1x128xi32, #tpu.memory_space<vmem>>
    %dma_start3A_155 = tpu.memref_squeeze %dma_start3A_154 : memref<1x128xi32, #tpu.memory_space<vmem>> -> memref<128xi32, #tpu.memory_space<vmem>>
    %dma_start3A_156 = arith.constant 0 : i32
    %dma_start3A_157 = arith.constant 0 : i32
    %dma_start3A_158 = tpu.memref_slice %arg2[%dma_start3A_156, %dma_start3A_157] : memref<8192x128xi32, #tpu.memory_space<hbm>> -> memref<8192x128xi32, #tpu.memory_space<hbm>>
    tpu.enqueue_indirect_dma source(%dma_start3A_158 : memref<8192x128xi32, #tpu.memory_space<hbm>>) target(%arg7 : memref<128x128xi32, #tpu.memory_space<vmem>>) offsets(%dma_start3A_155 : memref<128xi32, #tpu.memory_space<vmem>>) semaphore(%arg9 : memref<!tpu.dma_semaphore, #tpu.memory_space<semaphore_mem>>)
    %dma_wait3A_159 = arith.constant 8 : i32
    %dma_wait3A_160 = arith.constant 0 : i32
    %dma_wait3A_161 = tpu.memref_slice %arg5[%dma_wait3A_159, %dma_wait3A_160] : memref<16x128xi32, #tpu.memory_space<vmem>> -> memref<1x128xi32, #tpu.memory_space<vmem>>
    %dma_wait3A_162 = tpu.memref_squeeze %dma_wait3A_161 : memref<1x128xi32, #tpu.memory_space<vmem>> -> memref<128xi32, #tpu.memory_space<vmem>>
    %dma_wait3A_163 = arith.constant 0 : i32
    %dma_wait3A_164 = arith.constant 0 : i32
    %dma_wait3A_165 = tpu.memref_slice %arg2[%dma_wait3A_163, %dma_wait3A_164] : memref<8192x128xi32, #tpu.memory_space<hbm>> -> memref<8192x128xi32, #tpu.memory_space<hbm>>
    tpu.wait_indirect_dma semaphore(%arg8 : memref<!tpu.dma_semaphore, #tpu.memory_space<semaphore_mem>>) src(%dma_wait3A_165 : memref<8192x128xi32, #tpu.memory_space<hbm>>) dst(%arg6 : memref<128x128xi32, #tpu.memory_space<vmem>>)
    %mul3A_166 = arith.constant 2048 : i32
    %mul3A_167 = arith.muli %add3A, %mul3A_166 : i32
    %add3A_168 = arith.constant 1024 : i32
    %add3A_169 = arith.addi %mul3A_167, %add3A_168 : i32
    "tpu.region"() ({
      %run_scoped3A = tpu.sem_alloc : memref<!tpu.dma_semaphore, #tpu.memory_space<semaphore_mem>>
      %dma_start3A_289 = arith.constant 0 : i32
      %dma_start3A_290 = tpu.memref_slice %arg4[%add3A_169, %dma_start3A_289] : memref<65536x128xi32, #tpu.memory_space<hbm>> -> memref<128x128xi32, #tpu.memory_space<hbm>>
      %dma_start3A_291 = arith.constant 0 : i32
      %dma_start3A_292 = tpu.memref_slice %arg4[%add3A_169, %dma_start3A_291] : memref<65536x128xi32, #tpu.memory_space<hbm>> -> memref<128x128xi32, #tpu.memory_space<hbm>>
      tpu.enqueue_dma source(%arg6 : memref<128x128xi32, #tpu.memory_space<vmem>>) target(%dma_start3A_292 : memref<128x128xi32, #tpu.memory_space<hbm>>) target_semaphore(%run_scoped3A : memref<!tpu.dma_semaphore, #tpu.memory_space<semaphore_mem>>)
      %dma_wait3A_293 = arith.constant 0 : i32
      %dma_wait3A_294 = tpu.memref_slice %arg4[%add3A_169, %dma_wait3A_293] : memref<65536x128xi32, #tpu.memory_space<hbm>> -> memref<128x128xi32, #tpu.memory_space<hbm>>
      %dma_wait3A_295 = arith.constant 0 : i32
      %dma_wait3A_296 = tpu.memref_slice %arg4[%add3A_169, %dma_wait3A_295] : memref<65536x128xi32, #tpu.memory_space<hbm>> -> memref<128x128xi32, #tpu.memory_space<hbm>>
      tpu.wait_dma2 semaphore(%run_scoped3A : memref<!tpu.dma_semaphore, #tpu.memory_space<semaphore_mem>>) src(%arg6 : memref<128x128xi32, #tpu.memory_space<vmem>>) dst(%dma_wait3A_296 : memref<128x128xi32, #tpu.memory_space<hbm>>)
      tpu.yield
    }) : () -> ()
    %dma_start3A_170 = arith.constant 10 : i32
    %dma_start3A_171 = arith.constant 0 : i32
    %dma_start3A_172 = tpu.memref_slice %arg5[%dma_start3A_170, %dma_start3A_171] : memref<16x128xi32, #tpu.memory_space<vmem>> -> memref<1x128xi32, #tpu.memory_space<vmem>>
    %dma_start3A_173 = tpu.memref_squeeze %dma_start3A_172 : memref<1x128xi32, #tpu.memory_space<vmem>> -> memref<128xi32, #tpu.memory_space<vmem>>
    %dma_start3A_174 = arith.constant 0 : i32
    %dma_start3A_175 = arith.constant 0 : i32
    %dma_start3A_176 = tpu.memref_slice %arg2[%dma_start3A_174, %dma_start3A_175] : memref<8192x128xi32, #tpu.memory_space<hbm>> -> memref<8192x128xi32, #tpu.memory_space<hbm>>
    tpu.enqueue_indirect_dma source(%dma_start3A_176 : memref<8192x128xi32, #tpu.memory_space<hbm>>) target(%arg6 : memref<128x128xi32, #tpu.memory_space<vmem>>) offsets(%dma_start3A_173 : memref<128xi32, #tpu.memory_space<vmem>>) semaphore(%arg8 : memref<!tpu.dma_semaphore, #tpu.memory_space<semaphore_mem>>)
    %dma_wait3A_177 = arith.constant 9 : i32
    %dma_wait3A_178 = arith.constant 0 : i32
    %dma_wait3A_179 = tpu.memref_slice %arg5[%dma_wait3A_177, %dma_wait3A_178] : memref<16x128xi32, #tpu.memory_space<vmem>> -> memref<1x128xi32, #tpu.memory_space<vmem>>
    %dma_wait3A_180 = tpu.memref_squeeze %dma_wait3A_179 : memref<1x128xi32, #tpu.memory_space<vmem>> -> memref<128xi32, #tpu.memory_space<vmem>>
    %dma_wait3A_181 = arith.constant 0 : i32
    %dma_wait3A_182 = arith.constant 0 : i32
    %dma_wait3A_183 = tpu.memref_slice %arg2[%dma_wait3A_181, %dma_wait3A_182] : memref<8192x128xi32, #tpu.memory_space<hbm>> -> memref<8192x128xi32, #tpu.memory_space<hbm>>
    tpu.wait_indirect_dma semaphore(%arg9 : memref<!tpu.dma_semaphore, #tpu.memory_space<semaphore_mem>>) src(%dma_wait3A_183 : memref<8192x128xi32, #tpu.memory_space<hbm>>) dst(%arg7 : memref<128x128xi32, #tpu.memory_space<vmem>>)
    %mul3A_184 = arith.constant 2048 : i32
    %mul3A_185 = arith.muli %add3A, %mul3A_184 : i32
    %add3A_186 = arith.constant 1152 : i32
    %add3A_187 = arith.addi %mul3A_185, %add3A_186 : i32
    "tpu.region"() ({
      %run_scoped3A = tpu.sem_alloc : memref<!tpu.dma_semaphore, #tpu.memory_space<semaphore_mem>>
      %dma_start3A_289 = arith.constant 0 : i32
      %dma_start3A_290 = tpu.memref_slice %arg4[%add3A_187, %dma_start3A_289] : memref<65536x128xi32, #tpu.memory_space<hbm>> -> memref<128x128xi32, #tpu.memory_space<hbm>>
      %dma_start3A_291 = arith.constant 0 : i32
      %dma_start3A_292 = tpu.memref_slice %arg4[%add3A_187, %dma_start3A_291] : memref<65536x128xi32, #tpu.memory_space<hbm>> -> memref<128x128xi32, #tpu.memory_space<hbm>>
      tpu.enqueue_dma source(%arg7 : memref<128x128xi32, #tpu.memory_space<vmem>>) target(%dma_start3A_292 : memref<128x128xi32, #tpu.memory_space<hbm>>) target_semaphore(%run_scoped3A : memref<!tpu.dma_semaphore, #tpu.memory_space<semaphore_mem>>)
      %dma_wait3A_293 = arith.constant 0 : i32
      %dma_wait3A_294 = tpu.memref_slice %arg4[%add3A_187, %dma_wait3A_293] : memref<65536x128xi32, #tpu.memory_space<hbm>> -> memref<128x128xi32, #tpu.memory_space<hbm>>
      %dma_wait3A_295 = arith.constant 0 : i32
      %dma_wait3A_296 = tpu.memref_slice %arg4[%add3A_187, %dma_wait3A_295] : memref<65536x128xi32, #tpu.memory_space<hbm>> -> memref<128x128xi32, #tpu.memory_space<hbm>>
      tpu.wait_dma2 semaphore(%run_scoped3A : memref<!tpu.dma_semaphore, #tpu.memory_space<semaphore_mem>>) src(%arg7 : memref<128x128xi32, #tpu.memory_space<vmem>>) dst(%dma_wait3A_296 : memref<128x128xi32, #tpu.memory_space<hbm>>)
      tpu.yield
    }) : () -> ()
    %dma_start3A_188 = arith.constant 11 : i32
    %dma_start3A_189 = arith.constant 0 : i32
    %dma_start3A_190 = tpu.memref_slice %arg5[%dma_start3A_188, %dma_start3A_189] : memref<16x128xi32, #tpu.memory_space<vmem>> -> memref<1x128xi32, #tpu.memory_space<vmem>>
    %dma_start3A_191 = tpu.memref_squeeze %dma_start3A_190 : memref<1x128xi32, #tpu.memory_space<vmem>> -> memref<128xi32, #tpu.memory_space<vmem>>
    %dma_start3A_192 = arith.constant 0 : i32
    %dma_start3A_193 = arith.constant 0 : i32
    %dma_start3A_194 = tpu.memref_slice %arg2[%dma_start3A_192, %dma_start3A_193] : memref<8192x128xi32, #tpu.memory_space<hbm>> -> memref<8192x128xi32, #tpu.memory_space<hbm>>
    tpu.enqueue_indirect_dma source(%dma_start3A_194 : memref<8192x128xi32, #tpu.memory_space<hbm>>) target(%arg7 : memref<128x128xi32, #tpu.memory_space<vmem>>) offsets(%dma_start3A_191 : memref<128xi32, #tpu.memory_space<vmem>>) semaphore(%arg9 : memref<!tpu.dma_semaphore, #tpu.memory_space<semaphore_mem>>)
    %dma_wait3A_195 = arith.constant 10 : i32
    %dma_wait3A_196 = arith.constant 0 : i32
    %dma_wait3A_197 = tpu.memref_slice %arg5[%dma_wait3A_195, %dma_wait3A_196] : memref<16x128xi32, #tpu.memory_space<vmem>> -> memref<1x128xi32, #tpu.memory_space<vmem>>
    %dma_wait3A_198 = tpu.memref_squeeze %dma_wait3A_197 : memref<1x128xi32, #tpu.memory_space<vmem>> -> memref<128xi32, #tpu.memory_space<vmem>>
    %dma_wait3A_199 = arith.constant 0 : i32
    %dma_wait3A_200 = arith.constant 0 : i32
    %dma_wait3A_201 = tpu.memref_slice %arg2[%dma_wait3A_199, %dma_wait3A_200] : memref<8192x128xi32, #tpu.memory_space<hbm>> -> memref<8192x128xi32, #tpu.memory_space<hbm>>
    tpu.wait_indirect_dma semaphore(%arg8 : memref<!tpu.dma_semaphore, #tpu.memory_space<semaphore_mem>>) src(%dma_wait3A_201 : memref<8192x128xi32, #tpu.memory_space<hbm>>) dst(%arg6 : memref<128x128xi32, #tpu.memory_space<vmem>>)
    %mul3A_202 = arith.constant 2048 : i32
    %mul3A_203 = arith.muli %add3A, %mul3A_202 : i32
    %add3A_204 = arith.constant 1280 : i32
    %add3A_205 = arith.addi %mul3A_203, %add3A_204 : i32
    "tpu.region"() ({
      %run_scoped3A = tpu.sem_alloc : memref<!tpu.dma_semaphore, #tpu.memory_space<semaphore_mem>>
      %dma_start3A_289 = arith.constant 0 : i32
      %dma_start3A_290 = tpu.memref_slice %arg4[%add3A_205, %dma_start3A_289] : memref<65536x128xi32, #tpu.memory_space<hbm>> -> memref<128x128xi32, #tpu.memory_space<hbm>>
      %dma_start3A_291 = arith.constant 0 : i32
      %dma_start3A_292 = tpu.memref_slice %arg4[%add3A_205, %dma_start3A_291] : memref<65536x128xi32, #tpu.memory_space<hbm>> -> memref<128x128xi32, #tpu.memory_space<hbm>>
      tpu.enqueue_dma source(%arg6 : memref<128x128xi32, #tpu.memory_space<vmem>>) target(%dma_start3A_292 : memref<128x128xi32, #tpu.memory_space<hbm>>) target_semaphore(%run_scoped3A : memref<!tpu.dma_semaphore, #tpu.memory_space<semaphore_mem>>)
      %dma_wait3A_293 = arith.constant 0 : i32
      %dma_wait3A_294 = tpu.memref_slice %arg4[%add3A_205, %dma_wait3A_293] : memref<65536x128xi32, #tpu.memory_space<hbm>> -> memref<128x128xi32, #tpu.memory_space<hbm>>
      %dma_wait3A_295 = arith.constant 0 : i32
      %dma_wait3A_296 = tpu.memref_slice %arg4[%add3A_205, %dma_wait3A_295] : memref<65536x128xi32, #tpu.memory_space<hbm>> -> memref<128x128xi32, #tpu.memory_space<hbm>>
      tpu.wait_dma2 semaphore(%run_scoped3A : memref<!tpu.dma_semaphore, #tpu.memory_space<semaphore_mem>>) src(%arg6 : memref<128x128xi32, #tpu.memory_space<vmem>>) dst(%dma_wait3A_296 : memref<128x128xi32, #tpu.memory_space<hbm>>)
      tpu.yield
    }) : () -> ()
    %dma_start3A_206 = arith.constant 12 : i32
    %dma_start3A_207 = arith.constant 0 : i32
    %dma_start3A_208 = tpu.memref_slice %arg5[%dma_start3A_206, %dma_start3A_207] : memref<16x128xi32, #tpu.memory_space<vmem>> -> memref<1x128xi32, #tpu.memory_space<vmem>>
    %dma_start3A_209 = tpu.memref_squeeze %dma_start3A_208 : memref<1x128xi32, #tpu.memory_space<vmem>> -> memref<128xi32, #tpu.memory_space<vmem>>
    %dma_start3A_210 = arith.constant 0 : i32
    %dma_start3A_211 = arith.constant 0 : i32
    %dma_start3A_212 = tpu.memref_slice %arg2[%dma_start3A_210, %dma_start3A_211] : memref<8192x128xi32, #tpu.memory_space<hbm>> -> memref<8192x128xi32, #tpu.memory_space<hbm>>
    tpu.enqueue_indirect_dma source(%dma_start3A_212 : memref<8192x128xi32, #tpu.memory_space<hbm>>) target(%arg6 : memref<128x128xi32, #tpu.memory_space<vmem>>) offsets(%dma_start3A_209 : memref<128xi32, #tpu.memory_space<vmem>>) semaphore(%arg8 : memref<!tpu.dma_semaphore, #tpu.memory_space<semaphore_mem>>)
    %dma_wait3A_213 = arith.constant 11 : i32
    %dma_wait3A_214 = arith.constant 0 : i32
    %dma_wait3A_215 = tpu.memref_slice %arg5[%dma_wait3A_213, %dma_wait3A_214] : memref<16x128xi32, #tpu.memory_space<vmem>> -> memref<1x128xi32, #tpu.memory_space<vmem>>
    %dma_wait3A_216 = tpu.memref_squeeze %dma_wait3A_215 : memref<1x128xi32, #tpu.memory_space<vmem>> -> memref<128xi32, #tpu.memory_space<vmem>>
    %dma_wait3A_217 = arith.constant 0 : i32
    %dma_wait3A_218 = arith.constant 0 : i32
    %dma_wait3A_219 = tpu.memref_slice %arg2[%dma_wait3A_217, %dma_wait3A_218] : memref<8192x128xi32, #tpu.memory_space<hbm>> -> memref<8192x128xi32, #tpu.memory_space<hbm>>
    tpu.wait_indirect_dma semaphore(%arg9 : memref<!tpu.dma_semaphore, #tpu.memory_space<semaphore_mem>>) src(%dma_wait3A_219 : memref<8192x128xi32, #tpu.memory_space<hbm>>) dst(%arg7 : memref<128x128xi32, #tpu.memory_space<vmem>>)
    %mul3A_220 = arith.constant 2048 : i32
    %mul3A_221 = arith.muli %add3A, %mul3A_220 : i32
    %add3A_222 = arith.constant 1408 : i32
    %add3A_223 = arith.addi %mul3A_221, %add3A_222 : i32
    "tpu.region"() ({
      %run_scoped3A = tpu.sem_alloc : memref<!tpu.dma_semaphore, #tpu.memory_space<semaphore_mem>>
      %dma_start3A_289 = arith.constant 0 : i32
      %dma_start3A_290 = tpu.memref_slice %arg4[%add3A_223, %dma_start3A_289] : memref<65536x128xi32, #tpu.memory_space<hbm>> -> memref<128x128xi32, #tpu.memory_space<hbm>>
      %dma_start3A_291 = arith.constant 0 : i32
      %dma_start3A_292 = tpu.memref_slice %arg4[%add3A_223, %dma_start3A_291] : memref<65536x128xi32, #tpu.memory_space<hbm>> -> memref<128x128xi32, #tpu.memory_space<hbm>>
      tpu.enqueue_dma source(%arg7 : memref<128x128xi32, #tpu.memory_space<vmem>>) target(%dma_start3A_292 : memref<128x128xi32, #tpu.memory_space<hbm>>) target_semaphore(%run_scoped3A : memref<!tpu.dma_semaphore, #tpu.memory_space<semaphore_mem>>)
      %dma_wait3A_293 = arith.constant 0 : i32
      %dma_wait3A_294 = tpu.memref_slice %arg4[%add3A_223, %dma_wait3A_293] : memref<65536x128xi32, #tpu.memory_space<hbm>> -> memref<128x128xi32, #tpu.memory_space<hbm>>
      %dma_wait3A_295 = arith.constant 0 : i32
      %dma_wait3A_296 = tpu.memref_slice %arg4[%add3A_223, %dma_wait3A_295] : memref<65536x128xi32, #tpu.memory_space<hbm>> -> memref<128x128xi32, #tpu.memory_space<hbm>>
      tpu.wait_dma2 semaphore(%run_scoped3A : memref<!tpu.dma_semaphore, #tpu.memory_space<semaphore_mem>>) src(%arg7 : memref<128x128xi32, #tpu.memory_space<vmem>>) dst(%dma_wait3A_296 : memref<128x128xi32, #tpu.memory_space<hbm>>)
      tpu.yield
    }) : () -> ()
    %dma_start3A_224 = arith.constant 13 : i32
    %dma_start3A_225 = arith.constant 0 : i32
    %dma_start3A_226 = tpu.memref_slice %arg5[%dma_start3A_224, %dma_start3A_225] : memref<16x128xi32, #tpu.memory_space<vmem>> -> memref<1x128xi32, #tpu.memory_space<vmem>>
    %dma_start3A_227 = tpu.memref_squeeze %dma_start3A_226 : memref<1x128xi32, #tpu.memory_space<vmem>> -> memref<128xi32, #tpu.memory_space<vmem>>
    %dma_start3A_228 = arith.constant 0 : i32
    %dma_start3A_229 = arith.constant 0 : i32
    %dma_start3A_230 = tpu.memref_slice %arg2[%dma_start3A_228, %dma_start3A_229] : memref<8192x128xi32, #tpu.memory_space<hbm>> -> memref<8192x128xi32, #tpu.memory_space<hbm>>
    tpu.enqueue_indirect_dma source(%dma_start3A_230 : memref<8192x128xi32, #tpu.memory_space<hbm>>) target(%arg7 : memref<128x128xi32, #tpu.memory_space<vmem>>) offsets(%dma_start3A_227 : memref<128xi32, #tpu.memory_space<vmem>>) semaphore(%arg9 : memref<!tpu.dma_semaphore, #tpu.memory_space<semaphore_mem>>)
    %dma_wait3A_231 = arith.constant 12 : i32
    %dma_wait3A_232 = arith.constant 0 : i32
    %dma_wait3A_233 = tpu.memref_slice %arg5[%dma_wait3A_231, %dma_wait3A_232] : memref<16x128xi32, #tpu.memory_space<vmem>> -> memref<1x128xi32, #tpu.memory_space<vmem>>
    %dma_wait3A_234 = tpu.memref_squeeze %dma_wait3A_233 : memref<1x128xi32, #tpu.memory_space<vmem>> -> memref<128xi32, #tpu.memory_space<vmem>>
    %dma_wait3A_235 = arith.constant 0 : i32
    %dma_wait3A_236 = arith.constant 0 : i32
    %dma_wait3A_237 = tpu.memref_slice %arg2[%dma_wait3A_235, %dma_wait3A_236] : memref<8192x128xi32, #tpu.memory_space<hbm>> -> memref<8192x128xi32, #tpu.memory_space<hbm>>
    tpu.wait_indirect_dma semaphore(%arg8 : memref<!tpu.dma_semaphore, #tpu.memory_space<semaphore_mem>>) src(%dma_wait3A_237 : memref<8192x128xi32, #tpu.memory_space<hbm>>) dst(%arg6 : memref<128x128xi32, #tpu.memory_space<vmem>>)
    %mul3A_238 = arith.constant 2048 : i32
    %mul3A_239 = arith.muli %add3A, %mul3A_238 : i32
    %add3A_240 = arith.constant 1536 : i32
    %add3A_241 = arith.addi %mul3A_239, %add3A_240 : i32
    "tpu.region"() ({
      %run_scoped3A = tpu.sem_alloc : memref<!tpu.dma_semaphore, #tpu.memory_space<semaphore_mem>>
      %dma_start3A_289 = arith.constant 0 : i32
      %dma_start3A_290 = tpu.memref_slice %arg4[%add3A_241, %dma_start3A_289] : memref<65536x128xi32, #tpu.memory_space<hbm>> -> memref<128x128xi32, #tpu.memory_space<hbm>>
      %dma_start3A_291 = arith.constant 0 : i32
      %dma_start3A_292 = tpu.memref_slice %arg4[%add3A_241, %dma_start3A_291] : memref<65536x128xi32, #tpu.memory_space<hbm>> -> memref<128x128xi32, #tpu.memory_space<hbm>>
      tpu.enqueue_dma source(%arg6 : memref<128x128xi32, #tpu.memory_space<vmem>>) target(%dma_start3A_292 : memref<128x128xi32, #tpu.memory_space<hbm>>) target_semaphore(%run_scoped3A : memref<!tpu.dma_semaphore, #tpu.memory_space<semaphore_mem>>)
      %dma_wait3A_293 = arith.constant 0 : i32
      %dma_wait3A_294 = tpu.memref_slice %arg4[%add3A_241, %dma_wait3A_293] : memref<65536x128xi32, #tpu.memory_space<hbm>> -> memref<128x128xi32, #tpu.memory_space<hbm>>
      %dma_wait3A_295 = arith.constant 0 : i32
      %dma_wait3A_296 = tpu.memref_slice %arg4[%add3A_241, %dma_wait3A_295] : memref<65536x128xi32, #tpu.memory_space<hbm>> -> memref<128x128xi32, #tpu.memory_space<hbm>>
      tpu.wait_dma2 semaphore(%run_scoped3A : memref<!tpu.dma_semaphore, #tpu.memory_space<semaphore_mem>>) src(%arg6 : memref<128x128xi32, #tpu.memory_space<vmem>>) dst(%dma_wait3A_296 : memref<128x128xi32, #tpu.memory_space<hbm>>)
      tpu.yield
    }) : () -> ()
    %dma_start3A_242 = arith.constant 14 : i32
    %dma_start3A_243 = arith.constant 0 : i32
    %dma_start3A_244 = tpu.memref_slice %arg5[%dma_start3A_242, %dma_start3A_243] : memref<16x128xi32, #tpu.memory_space<vmem>> -> memref<1x128xi32, #tpu.memory_space<vmem>>
    %dma_start3A_245 = tpu.memref_squeeze %dma_start3A_244 : memref<1x128xi32, #tpu.memory_space<vmem>> -> memref<128xi32, #tpu.memory_space<vmem>>
    %dma_start3A_246 = arith.constant 0 : i32
    %dma_start3A_247 = arith.constant 0 : i32
    %dma_start3A_248 = tpu.memref_slice %arg2[%dma_start3A_246, %dma_start3A_247] : memref<8192x128xi32, #tpu.memory_space<hbm>> -> memref<8192x128xi32, #tpu.memory_space<hbm>>
    tpu.enqueue_indirect_dma source(%dma_start3A_248 : memref<8192x128xi32, #tpu.memory_space<hbm>>) target(%arg6 : memref<128x128xi32, #tpu.memory_space<vmem>>) offsets(%dma_start3A_245 : memref<128xi32, #tpu.memory_space<vmem>>) semaphore(%arg8 : memref<!tpu.dma_semaphore, #tpu.memory_space<semaphore_mem>>)
    %dma_wait3A_249 = arith.constant 13 : i32
    %dma_wait3A_250 = arith.constant 0 : i32
    %dma_wait3A_251 = tpu.memref_slice %arg5[%dma_wait3A_249, %dma_wait3A_250] : memref<16x128xi32, #tpu.memory_space<vmem>> -> memref<1x128xi32, #tpu.memory_space<vmem>>
    %dma_wait3A_252 = tpu.memref_squeeze %dma_wait3A_251 : memref<1x128xi32, #tpu.memory_space<vmem>> -> memref<128xi32, #tpu.memory_space<vmem>>
    %dma_wait3A_253 = arith.constant 0 : i32
    %dma_wait3A_254 = arith.constant 0 : i32
    %dma_wait3A_255 = tpu.memref_slice %arg2[%dma_wait3A_253, %dma_wait3A_254] : memref<8192x128xi32, #tpu.memory_space<hbm>> -> memref<8192x128xi32, #tpu.memory_space<hbm>>
    tpu.wait_indirect_dma semaphore(%arg9 : memref<!tpu.dma_semaphore, #tpu.memory_space<semaphore_mem>>) src(%dma_wait3A_255 : memref<8192x128xi32, #tpu.memory_space<hbm>>) dst(%arg7 : memref<128x128xi32, #tpu.memory_space<vmem>>)
    %mul3A_256 = arith.constant 2048 : i32
    %mul3A_257 = arith.muli %add3A, %mul3A_256 : i32
    %add3A_258 = arith.constant 1664 : i32
    %add3A_259 = arith.addi %mul3A_257, %add3A_258 : i32
    "tpu.region"() ({
      %run_scoped3A = tpu.sem_alloc : memref<!tpu.dma_semaphore, #tpu.memory_space<semaphore_mem>>
      %dma_start3A_289 = arith.constant 0 : i32
      %dma_start3A_290 = tpu.memref_slice %arg4[%add3A_259, %dma_start3A_289] : memref<65536x128xi32, #tpu.memory_space<hbm>> -> memref<128x128xi32, #tpu.memory_space<hbm>>
      %dma_start3A_291 = arith.constant 0 : i32
      %dma_start3A_292 = tpu.memref_slice %arg4[%add3A_259, %dma_start3A_291] : memref<65536x128xi32, #tpu.memory_space<hbm>> -> memref<128x128xi32, #tpu.memory_space<hbm>>
      tpu.enqueue_dma source(%arg7 : memref<128x128xi32, #tpu.memory_space<vmem>>) target(%dma_start3A_292 : memref<128x128xi32, #tpu.memory_space<hbm>>) target_semaphore(%run_scoped3A : memref<!tpu.dma_semaphore, #tpu.memory_space<semaphore_mem>>)
      %dma_wait3A_293 = arith.constant 0 : i32
      %dma_wait3A_294 = tpu.memref_slice %arg4[%add3A_259, %dma_wait3A_293] : memref<65536x128xi32, #tpu.memory_space<hbm>> -> memref<128x128xi32, #tpu.memory_space<hbm>>
      %dma_wait3A_295 = arith.constant 0 : i32
      %dma_wait3A_296 = tpu.memref_slice %arg4[%add3A_259, %dma_wait3A_295] : memref<65536x128xi32, #tpu.memory_space<hbm>> -> memref<128x128xi32, #tpu.memory_space<hbm>>
      tpu.wait_dma2 semaphore(%run_scoped3A : memref<!tpu.dma_semaphore, #tpu.memory_space<semaphore_mem>>) src(%arg7 : memref<128x128xi32, #tpu.memory_space<vmem>>) dst(%dma_wait3A_296 : memref<128x128xi32, #tpu.memory_space<hbm>>)
      tpu.yield
    }) : () -> ()
    %dma_start3A_260 = arith.constant 15 : i32
    %dma_start3A_261 = arith.constant 0 : i32
    %dma_start3A_262 = tpu.memref_slice %arg5[%dma_start3A_260, %dma_start3A_261] : memref<16x128xi32, #tpu.memory_space<vmem>> -> memref<1x128xi32, #tpu.memory_space<vmem>>
    %dma_start3A_263 = tpu.memref_squeeze %dma_start3A_262 : memref<1x128xi32, #tpu.memory_space<vmem>> -> memref<128xi32, #tpu.memory_space<vmem>>
    %dma_start3A_264 = arith.constant 0 : i32
    %dma_start3A_265 = arith.constant 0 : i32
    %dma_start3A_266 = tpu.memref_slice %arg2[%dma_start3A_264, %dma_start3A_265] : memref<8192x128xi32, #tpu.memory_space<hbm>> -> memref<8192x128xi32, #tpu.memory_space<hbm>>
    tpu.enqueue_indirect_dma source(%dma_start3A_266 : memref<8192x128xi32, #tpu.memory_space<hbm>>) target(%arg7 : memref<128x128xi32, #tpu.memory_space<vmem>>) offsets(%dma_start3A_263 : memref<128xi32, #tpu.memory_space<vmem>>) semaphore(%arg9 : memref<!tpu.dma_semaphore, #tpu.memory_space<semaphore_mem>>)
    %dma_wait3A_267 = arith.constant 14 : i32
    %dma_wait3A_268 = arith.constant 0 : i32
    %dma_wait3A_269 = tpu.memref_slice %arg5[%dma_wait3A_267, %dma_wait3A_268] : memref<16x128xi32, #tpu.memory_space<vmem>> -> memref<1x128xi32, #tpu.memory_space<vmem>>
    %dma_wait3A_270 = tpu.memref_squeeze %dma_wait3A_269 : memref<1x128xi32, #tpu.memory_space<vmem>> -> memref<128xi32, #tpu.memory_space<vmem>>
    %dma_wait3A_271 = arith.constant 0 : i32
    %dma_wait3A_272 = arith.constant 0 : i32
    %dma_wait3A_273 = tpu.memref_slice %arg2[%dma_wait3A_271, %dma_wait3A_272] : memref<8192x128xi32, #tpu.memory_space<hbm>> -> memref<8192x128xi32, #tpu.memory_space<hbm>>
    tpu.wait_indirect_dma semaphore(%arg8 : memref<!tpu.dma_semaphore, #tpu.memory_space<semaphore_mem>>) src(%dma_wait3A_273 : memref<8192x128xi32, #tpu.memory_space<hbm>>) dst(%arg6 : memref<128x128xi32, #tpu.memory_space<vmem>>)
    %mul3A_274 = arith.constant 2048 : i32
    %mul3A_275 = arith.muli %add3A, %mul3A_274 : i32
    %add3A_276 = arith.constant 1792 : i32
    %add3A_277 = arith.addi %mul3A_275, %add3A_276 : i32
    "tpu.region"() ({
      %run_scoped3A = tpu.sem_alloc : memref<!tpu.dma_semaphore, #tpu.memory_space<semaphore_mem>>
      %dma_start3A_289 = arith.constant 0 : i32
      %dma_start3A_290 = tpu.memref_slice %arg4[%add3A_277, %dma_start3A_289] : memref<65536x128xi32, #tpu.memory_space<hbm>> -> memref<128x128xi32, #tpu.memory_space<hbm>>
      %dma_start3A_291 = arith.constant 0 : i32
      %dma_start3A_292 = tpu.memref_slice %arg4[%add3A_277, %dma_start3A_291] : memref<65536x128xi32, #tpu.memory_space<hbm>> -> memref<128x128xi32, #tpu.memory_space<hbm>>
      tpu.enqueue_dma source(%arg6 : memref<128x128xi32, #tpu.memory_space<vmem>>) target(%dma_start3A_292 : memref<128x128xi32, #tpu.memory_space<hbm>>) target_semaphore(%run_scoped3A : memref<!tpu.dma_semaphore, #tpu.memory_space<semaphore_mem>>)
      %dma_wait3A_293 = arith.constant 0 : i32
      %dma_wait3A_294 = tpu.memref_slice %arg4[%add3A_277, %dma_wait3A_293] : memref<65536x128xi32, #tpu.memory_space<hbm>> -> memref<128x128xi32, #tpu.memory_space<hbm>>
      %dma_wait3A_295 = arith.constant 0 : i32
      %dma_wait3A_296 = tpu.memref_slice %arg4[%add3A_277, %dma_wait3A_295] : memref<65536x128xi32, #tpu.memory_space<hbm>> -> memref<128x128xi32, #tpu.memory_space<hbm>>
      tpu.wait_dma2 semaphore(%run_scoped3A : memref<!tpu.dma_semaphore, #tpu.memory_space<semaphore_mem>>) src(%arg6 : memref<128x128xi32, #tpu.memory_space<vmem>>) dst(%dma_wait3A_296 : memref<128x128xi32, #tpu.memory_space<hbm>>)
      tpu.yield
    }) : () -> ()
    %dma_wait3A_278 = arith.constant 15 : i32
    %dma_wait3A_279 = arith.constant 0 : i32
    %dma_wait3A_280 = tpu.memref_slice %arg5[%dma_wait3A_278, %dma_wait3A_279] : memref<16x128xi32, #tpu.memory_space<vmem>> -> memref<1x128xi32, #tpu.memory_space<vmem>>
    %dma_wait3A_281 = tpu.memref_squeeze %dma_wait3A_280 : memref<1x128xi32, #tpu.memory_space<vmem>> -> memref<128xi32, #tpu.memory_space<vmem>>
    %dma_wait3A_282 = arith.constant 0 : i32
    %dma_wait3A_283 = arith.constant 0 : i32
    %dma_wait3A_284 = tpu.memref_slice %arg2[%dma_wait3A_282, %dma_wait3A_283] : memref<8192x128xi32, #tpu.memory_space<hbm>> -> memref<8192x128xi32, #tpu.memory_space<hbm>>
    tpu.wait_indirect_dma semaphore(%arg9 : memref<!tpu.dma_semaphore, #tpu.memory_space<semaphore_mem>>) src(%dma_wait3A_284 : memref<8192x128xi32, #tpu.memory_space<hbm>>) dst(%arg7 : memref<128x128xi32, #tpu.memory_space<vmem>>)
    %mul3A_285 = arith.constant 2048 : i32
    %mul3A_286 = arith.muli %add3A, %mul3A_285 : i32
    %add3A_287 = arith.constant 1920 : i32
    %add3A_288 = arith.addi %mul3A_286, %add3A_287 : i32
    "tpu.region"() ({
      %run_scoped3A = tpu.sem_alloc : memref<!tpu.dma_semaphore, #tpu.memory_space<semaphore_mem>>
      %dma_start3A_289 = arith.constant 0 : i32
      %dma_start3A_290 = tpu.memref_slice %arg4[%add3A_288, %dma_start3A_289] : memref<65536x128xi32, #tpu.memory_space<hbm>> -> memref<128x128xi32, #tpu.memory_space<hbm>>
      %dma_start3A_291 = arith.constant 0 : i32
      %dma_start3A_292 = tpu.memref_slice %arg4[%add3A_288, %dma_start3A_291] : memref<65536x128xi32, #tpu.memory_space<hbm>> -> memref<128x128xi32, #tpu.memory_space<hbm>>
      tpu.enqueue_dma source(%arg7 : memref<128x128xi32, #tpu.memory_space<vmem>>) target(%dma_start3A_292 : memref<128x128xi32, #tpu.memory_space<hbm>>) target_semaphore(%run_scoped3A : memref<!tpu.dma_semaphore, #tpu.memory_space<semaphore_mem>>)
      %dma_wait3A_293 = arith.constant 0 : i32
      %dma_wait3A_294 = tpu.memref_slice %arg4[%add3A_288, %dma_wait3A_293] : memref<65536x128xi32, #tpu.memory_space<hbm>> -> memref<128x128xi32, #tpu.memory_space<hbm>>
      %dma_wait3A_295 = arith.constant 0 : i32
      %dma_wait3A_296 = tpu.memref_slice %arg4[%add3A_288, %dma_wait3A_295] : memref<65536x128xi32, #tpu.memory_space<hbm>> -> memref<128x128xi32, #tpu.memory_space<hbm>>
      tpu.wait_dma2 semaphore(%run_scoped3A : memref<!tpu.dma_semaphore, #tpu.memory_space<semaphore_mem>>) src(%arg7 : memref<128x128xi32, #tpu.memory_space<vmem>>) dst(%dma_wait3A_296 : memref<128x128xi32, #tpu.memory_space<hbm>>)
      tpu.yield
    }) : () -> ()
    return
  }
}

module attributes {stable_mosaic.version = 14 : i64} {
  func.func @_mm_body(%arg0: i32, %arg1: i32, %arg2: memref<1xf32, #tpu.memory_space<smem>>, %arg3: memref<1x512x1024xi32, #tpu.memory_space<vmem>>, %arg4: memref<512x1024xbf16, #tpu.memory_space<vmem>>, %arg5: memref<512x1024xbf16, #tpu.memory_space<vmem>>, %arg6: memref<1024x2048xf32, #tpu.memory_space<vmem>>, %arg7: memref<1x512x1024xf32, #tpu.memory_space<vmem>>, %arg8: memref<1024x1024xbf16, #tpu.memory_space<vmem>>, %arg9: memref<1024x1024xbf16, #tpu.memory_space<vmem>>) attributes {dimension_semantics = [#tpu.dimension_semantics<arbitrary>, #tpu.dimension_semantics<arbitrary>], iteration_bounds = array<i64: 4, 4>, scalar_prefetch = 0 : i64, scratch_operands = 2 : i64, tpu.core_type = #tpu.core_type<tc>, window_params = [{transform_indices = @transform_0, window_bounds = array<i64: 1>}, {transform_indices = @transform_1, window_bounds = array<i64: 1, 512, 1024>}, {transform_indices = @transform_2, window_bounds = array<i64: 512, 1024>}, {transform_indices = @transform_3, window_bounds = array<i64: 512, 1024>}, {pipeline_mode = #tpu.pipeline_mode<synchronous>, transform_indices = @transform_4, window_bounds = array<i64: 1024, 2048>}, {transform_indices = @transform_5, window_bounds = array<i64: 1, 512, 1024>}]} {
    %eq3A = arith.constant 0 : i32
    %eq3A_0 = arith.cmpi eq, %arg0, %eq3A : i32
    %eq3A_1 = arith.constant 0 : i32
    %eq3A_2 = arith.cmpi eq, %arg1, %eq3A_1 : i32
    %and3A = arith.andi %eq3A_0, %eq3A_2 : i1
    %convert_element_type3A = arith.extui %and3A : i1 to i32
    %cond3A = arith.constant 0 : i32
    %cond3A_3 = arith.cmpi ne, %convert_element_type3A, %cond3A : i32
    scf.if %cond3A_3 {
      %get3A_45 = arith.constant 0 : index
      %get3A_46 = arith.constant 0 : index
      %get3A_47 = vector.load %arg6[%get3A_45, %get3A_46] : memref<1024x2048xf32, #tpu.memory_space<vmem>>, vector<1024x2048xf32>
      %slice3A = vector.extract_strided_slice %get3A_47 {offsets = [0, 0], sizes = [1024, 128], strides = [1, 1]} : vector<1024x2048xf32> to vector<1024x128xf32>
      %slice3A_48 = vector.extract_strided_slice %get3A_47 {offsets = [0, 256], sizes = [1024, 128], strides = [1, 1]} : vector<1024x2048xf32> to vector<1024x128xf32>
      %slice3A_49 = vector.extract_strided_slice %get3A_47 {offsets = [0, 512], sizes = [1024, 128], strides = [1, 1]} : vector<1024x2048xf32> to vector<1024x128xf32>
      %slice3A_50 = vector.extract_strided_slice %get3A_47 {offsets = [0, 768], sizes = [1024, 128], strides = [1, 1]} : vector<1024x2048xf32> to vector<1024x128xf32>
      %slice3A_51 = vector.extract_strided_slice %get3A_47 {offsets = [0, 1024], sizes = [1024, 128], strides = [1, 1]} : vector<1024x2048xf32> to vector<1024x128xf32>
      %slice3A_52 = vector.extract_strided_slice %get3A_47 {offsets = [0, 1280], sizes = [1024, 128], strides = [1, 1]} : vector<1024x2048xf32> to vector<1024x128xf32>
      %slice3A_53 = vector.extract_strided_slice %get3A_47 {offsets = [0, 1536], sizes = [1024, 128], strides = [1, 1]} : vector<1024x2048xf32> to vector<1024x128xf32>
      %slice3A_54 = vector.extract_strided_slice %get3A_47 {offsets = [0, 1792], sizes = [1024, 128], strides = [1, 1]} : vector<1024x2048xf32> to vector<1024x128xf32>
      %concatenate3A = tpu.concatenate %slice3A, %slice3A_48, %slice3A_49, %slice3A_50, %slice3A_51, %slice3A_52, %slice3A_53, %slice3A_54 in 1 : vector<1024x128xf32>, vector<1024x128xf32>, vector<1024x128xf32>, vector<1024x128xf32>, vector<1024x128xf32>, vector<1024x128xf32>, vector<1024x128xf32>, vector<1024x128xf32> -> vector<1024x1024xf32>
      %convert_element_type3A_55 = arith.truncf %concatenate3A : vector<1024x1024xf32> to vector<1024x1024xbf16>
      %swap3A_56 = arith.constant 0 : index
      %swap3A_57 = arith.constant 0 : index
      %swap3A_58 = vector.load %arg8[%swap3A_56, %swap3A_57] : memref<1024x1024xbf16, #tpu.memory_space<vmem>>, vector<1024x1024xbf16>
      tpu.vector_store %arg8[%swap3A_56, %swap3A_57], %convert_element_type3A_55 {strides = array<i32>} : memref<1024x1024xbf16, #tpu.memory_space<vmem>>, vector<1024x1024xbf16>,
      %slice3A_59 = vector.extract_strided_slice %get3A_47 {offsets = [0, 128], sizes = [1024, 128], strides = [1, 1]} : vector<1024x2048xf32> to vector<1024x128xf32>
      %slice3A_60 = vector.extract_strided_slice %get3A_47 {offsets = [0, 384], sizes = [1024, 128], strides = [1, 1]} : vector<1024x2048xf32> to vector<1024x128xf32>
      %slice3A_61 = vector.extract_strided_slice %get3A_47 {offsets = [0, 640], sizes = [1024, 128], strides = [1, 1]} : vector<1024x2048xf32> to vector<1024x128xf32>
      %slice3A_62 = vector.extract_strided_slice %get3A_47 {offsets = [0, 896], sizes = [1024, 128], strides = [1, 1]} : vector<1024x2048xf32> to vector<1024x128xf32>
      %slice3A_63 = vector.extract_strided_slice %get3A_47 {offsets = [0, 1152], sizes = [1024, 128], strides = [1, 1]} : vector<1024x2048xf32> to vector<1024x128xf32>
      %slice3A_64 = vector.extract_strided_slice %get3A_47 {offsets = [0, 1408], sizes = [1024, 128], strides = [1, 1]} : vector<1024x2048xf32> to vector<1024x128xf32>
      %slice3A_65 = vector.extract_strided_slice %get3A_47 {offsets = [0, 1664], sizes = [1024, 128], strides = [1, 1]} : vector<1024x2048xf32> to vector<1024x128xf32>
      %slice3A_66 = vector.extract_strided_slice %get3A_47 {offsets = [0, 1920], sizes = [1024, 128], strides = [1, 1]} : vector<1024x2048xf32> to vector<1024x128xf32>
      %concatenate3A_67 = tpu.concatenate %slice3A_59, %slice3A_60, %slice3A_61, %slice3A_62, %slice3A_63, %slice3A_64, %slice3A_65, %slice3A_66 in 1 : vector<1024x128xf32>, vector<1024x128xf32>, vector<1024x128xf32>, vector<1024x128xf32>, vector<1024x128xf32>, vector<1024x128xf32>, vector<1024x128xf32>, vector<1024x128xf32> -> vector<1024x1024xf32>
      %convert_element_type3A_68 = arith.truncf %concatenate3A_67 : vector<1024x1024xf32> to vector<1024x1024xbf16>
      %swap3A_69 = arith.constant 0 : index
      %swap3A_70 = arith.constant 0 : index
      %swap3A_71 = vector.load %arg9[%swap3A_69, %swap3A_70] : memref<1024x1024xbf16, #tpu.memory_space<vmem>>, vector<1024x1024xbf16>
      tpu.vector_store %arg9[%swap3A_69, %swap3A_70], %convert_element_type3A_68 {strides = array<i32>} : memref<1024x1024xbf16, #tpu.memory_space<vmem>>, vector<1024x1024xbf16>,
    } else {
    }
    %get3A = arith.constant 0 : index
    %get3A_4 = arith.constant 0 : index
    %get3A_5 = arith.constant 0 : index
    %get3A_6 = vector.load %arg3[%get3A, %get3A_4, %get3A_5] : memref<1x512x1024xi32, #tpu.memory_space<vmem>>, vector<1x512x1024xi32>
    %get3A_7 = vector.shape_cast %get3A_6 : vector<1x512x1024xi32> to vector<512x1024xi32>
    %get3A_8 = arith.constant 0 : index
    %get3A_9 = memref.load %arg2[%get3A_8] : memref<1xf32, #tpu.memory_space<smem>>
    %shift_left3A = arith.constant 16 : i32
    %shift_left3A_10 = vector.broadcast %shift_left3A : i32 to vector<512x1024xi32>
    %shift_left3A_11 = arith.shli %get3A_7, %shift_left3A_10 : vector<512x1024xi32>
    %bitcast_convert_type3A = tpu.bitcast %shift_left3A_11 : vector<512x1024xi32> -> vector<512x1024xf32>
    %get3A_12 = arith.constant 0 : index
    %get3A_13 = arith.constant 0 : index
    %get3A_14 = vector.load %arg4[%get3A_12, %get3A_13] : memref<512x1024xbf16, #tpu.memory_space<vmem>>, vector<512x1024xbf16>
    %convert_element_type3A_15 = arith.extf %get3A_14 : vector<512x1024xbf16> to vector<512x1024xf32>
    %mul3A = vector.broadcast %get3A_9 : f32 to vector<512x1024xf32>
    %mul3A_16 = arith.mulf %mul3A, %convert_element_type3A_15 : vector<512x1024xf32>
    %add3A = arith.addf %bitcast_convert_type3A, %mul3A_16 : vector<512x1024xf32>
    %and3A_17 = arith.constant -65536 : i32
    %and3A_18 = vector.broadcast %and3A_17 : i32 to vector<512x1024xi32>
    %and3A_19 = arith.andi %get3A_7, %and3A_18 : vector<512x1024xi32>
    %bitcast_convert_type3A_20 = tpu.bitcast %and3A_19 : vector<512x1024xi32> -> vector<512x1024xf32>
    %get3A_21 = arith.constant 0 : index
    %get3A_22 = arith.constant 0 : index
    %get3A_23 = vector.load %arg5[%get3A_21, %get3A_22] : memref<512x1024xbf16, #tpu.memory_space<vmem>>, vector<512x1024xbf16>
    %convert_element_type3A_24 = arith.extf %get3A_23 : vector<512x1024xbf16> to vector<512x1024xf32>
    %mul3A_25 = vector.broadcast %get3A_9 : f32 to vector<512x1024xf32>
    %mul3A_26 = arith.mulf %mul3A_25, %convert_element_type3A_24 : vector<512x1024xf32>
    %add3A_27 = arith.addf %bitcast_convert_type3A_20, %mul3A_26 : vector<512x1024xf32>
    %convert_element_type3A_28 = arith.truncf %add3A : vector<512x1024xf32> to vector<512x1024xbf16>
    %get3A_29 = arith.constant 0 : index
    %get3A_30 = arith.constant 0 : index
    %get3A_31 = vector.load %arg8[%get3A_29, %get3A_30] : memref<1024x1024xbf16, #tpu.memory_space<vmem>>, vector<1024x1024xbf16>
    %dot_general3A = arith.constant dense<0.000000e+00> : vector<512x1024xf32>
    %dot_general3A_32 = tpu.matmul %convert_element_type3A_28, %get3A_31, %dot_general3A {dimension_numbers = #tpu.dot_dimension_numbers<[1], [1], [0], [0], [0, 0, 1, 0], [], []>, transpose_lhs_hint = false} : vector<512x1024xbf16>, vector<1024x1024xbf16>, vector<512x1024xf32> -> vector<512x1024xf32>
    %convert_element_type3A_33 = arith.truncf %add3A_27 : vector<512x1024xf32> to vector<512x1024xbf16>
    %get3A_34 = arith.constant 0 : index
    %get3A_35 = arith.constant 0 : index
    %get3A_36 = vector.load %arg9[%get3A_34, %get3A_35] : memref<1024x1024xbf16, #tpu.memory_space<vmem>>, vector<1024x1024xbf16>
    %dot_general3A_37 = arith.constant dense<0.000000e+00> : vector<512x1024xf32>
    %dot_general3A_38 = tpu.matmul %convert_element_type3A_33, %get3A_36, %dot_general3A_37 {dimension_numbers = #tpu.dot_dimension_numbers<[1], [1], [0], [0], [0, 0, 1, 0], [], []>, transpose_lhs_hint = false} : vector<512x1024xbf16>, vector<1024x1024xbf16>, vector<512x1024xf32> -> vector<512x1024xf32>
    %add3A_39 = arith.addf %dot_general3A_32, %dot_general3A_38 : vector<512x1024xf32>
    %swap3A = arith.constant 0 : index
    %swap3A_40 = arith.constant 0 : index
    %swap3A_41 = arith.constant 0 : index
    %swap3A_42 = vector.load %arg7[%swap3A, %swap3A_40, %swap3A_41] : memref<1x512x1024xf32, #tpu.memory_space<vmem>>, vector<1x512x1024xf32>
    %swap3A_43 = vector.shape_cast %swap3A_42 : vector<1x512x1024xf32> to vector<512x1024xf32>
    %swap3A_44 = vector.shape_cast %add3A_39 : vector<512x1024xf32> to vector<1x512x1024xf32>
    tpu.vector_store %arg7[%swap3A, %swap3A_40, %swap3A_41], %swap3A_44 {strides = array<i32>} : memref<1x512x1024xf32, #tpu.memory_space<vmem>>, vector<1x512x1024xf32>,
    return
  }
  func.func @transform_0(%arg0: i32, %arg1: i32) -> i32 {
    %c0_i32 = arith.constant 0 : i32
    %c0_i32_0 = arith.constant 0 : i32
    return %c0_i32 : i32
  }
  func.func @transform_1(%arg0: i32, %arg1: i32) -> (i32, i32, i32) {
    %c0_i32 = arith.constant 0 : i32
    %c0_i32_0 = arith.constant 0 : i32
    return %arg1, %arg0, %c0_i32 : i32, i32, i32
  }
  func.func @transform_2(%arg0: i32, %arg1: i32) -> (i32, i32) {
    %c0_i32 = arith.constant 0 : i32
    %c0_i32_0 = arith.constant 0 : i32
    return %arg0, %c0_i32 : i32, i32
  }
  func.func @transform_3(%arg0: i32, %arg1: i32) -> (i32, i32) {
    %c0_i32 = arith.constant 0 : i32
    %c0_i32_0 = arith.constant 0 : i32
    return %arg0, %c0_i32 : i32, i32
  }
  func.func @transform_4(%arg0: i32, %arg1: i32) -> (i32, i32) {
    %c0_i32 = arith.constant 0 : i32
    %c0_i32_0 = arith.constant 0 : i32
    %c0_i32_1 = arith.constant 0 : i32
    return %c0_i32, %c0_i32_0 : i32, i32
  }
  func.func @transform_5(%arg0: i32, %arg1: i32) -> (i32, i32, i32) {
    %c0_i32 = arith.constant 0 : i32
    %c0_i32_0 = arith.constant 0 : i32
    return %arg1, %arg0, %c0_i32 : i32, i32, i32
  }
}

</mosaic_0001>

<sc_bundles>
// kernel: kernel.4.cloned.1.call-start
scs
__scs_entry_jumppad:
0x0: {  	(pc) =	sbr.rel $0x88, $3  }
0x1: {  	(tag) =	ssettag $0x0;
	lr =	simm.s32 $0x1  }
0x2: {  	[smem:$0x3F9D] =	sst lr;
	_ =	strace $0xD0000000  }
0x3: {  	_ = 	snop  }
0x4: {  	_ = 	snop  }
0x5: {  	_ = 	snop  }
0x6: {  	_ = 	snop  }
0x7: {  	_ = 	snop  }
__scs_overlays_trampoline_lowered:
0x8: {  	[smem:$0x3FAC] =	sst s0  }
0x9: {  	[smem:$0x3FAD] =	sst s1  }
0xa: {  	[smem:$0x3FAE] =	sst s2  }
0xb: {  	[smem:$0x3FAF] =	sst s3  }
0xc: {  	[smem:$0x3FB0] =	sst s4  }
0xd: {  	[smem:$0x3FB1] =	sst s5  }
0xe: {  	[smem:$0x3FB2] =	sst s6  }
0xf: {  	[smem:$0x3FB3] =	sst s7  }
0x10: {  	[smem:$0x3FB4] =	sst s8  }
0x11: {  	[smem:$0x3FB5] =	sst s9;
	s0 =	simm.s32 @!p0 $0x0  }
0x12: {  	s1 =	sld [smem:$0x3F9B];
	s0 =	simm.s32 @p0 $0x1  }
0x13: {  	[smem:$0x3FB6] =	sst s0;
	s0 =	simm.s32 @!p1 $0x0  }
0x14: {  	s2 =	sld [smem:$0x3F9A];
	s0 =	simm.s32 @p1 $0x1  }
0x15: {  	[smem:$0x3FB7] =	sst s0;
	s0 =	simm.s32 @!p2 $0x0  }
0x16: {  	s3 =	sld [smem:$0x3FDB];
	s0 =	simm.s32 @p2 $0x1  }
0x17: {  	s4 =	simm.s32 $0x1BF5;
	[smem:$0x3FB9] =	sst s0  }
0x18: {  	s0 =	sld [smem:$0x3F9C];
	_ =	swait.ge [sflag:s4], $0x0  }
0x19: {  	s7 =	sld [smem:$0x3F9D]  }
0x1a: {  	s8 =	sadd.s32 $0xFFFFE003, lr  }
0x1b: {  	s9 =	sadd.s32 $0xFFFFFEF7, lr;
	s5 =	simm.s32 $0xFFFFFFFF;
	p2 =	slt.u32 s8, $0xFFFFF086  }
0x1c: {  	p1 =	slt.u32 s9, $0xF7A;
	s5 =	simm.s32 @!p2 $0x0  }
0x1d: {  	s5 =	simm.s32 @p1 $0x1;
	p0 =	seq.s32 s7, s2  }
0x1e: {  	s7 =	smul.u32 @!p0 $0xF7A, s2;
	p2 =	seq.s32 @!p0 s5, $0x0  }
0x1f: {  	s9 =	smul.u32 $0xF7A, s1;
	s8 =	simm.s32 @!p0 $0x1BF5;
	p2 =	por !p2, p0  }
0x20: {  	[sflag:s8] =	ssyncset.s32 @!p0 $0xFFFFF086;
	s6 =	sadd.s32 @!p0 s3, s7;
	s7 =	simm.s32 @!p0 $0x108  }
0x21: {  	s3 =	sadd.s32 s3, s9;
	s6 =	sadd.s32 @!p0 $0x88, s6;
	s7 =	simm.s32 @p2 $0x1082  }
0x22: {  	[simem:s7], [sflag:s8] =	dma.local @!p0 [hbm:s6], $0xF7A  }
0x23: {  	s9 =	sor.u32 $0xD0000000, s2;
	s6 =	simm.s32 $0x108;
	_ =	swait.ge @!p0 [sflag:s8], $0x0  }
0x24: {  	s3 =	sadd.s32 $0x88, s3;
	s6 =	simm.s32 @!p1 $0x1082;
	[sflag:s4] =	ssyncset.s32 $0xFFFFF086  }
0x25: {  	[simem:s6], [sflag:s4] =	dma.local [hbm:s3], $0xF7A  }
0x26: {  	[smem:$0x3F9D] =	sst s1;
	(tag) =	ssettag s2;
	_ =	strace s9  }
0x27: {  	s1 =	sld [smem:$0x3FAD]  }
0x28: {  	s2 =	sld [smem:$0x3FAE]  }
0x29: {  	s4 =	sld [smem:$0x3FB0]  }
0x2a: {  	p0 =	seq.s32 s5, $0x0;
	s5 =	sld [smem:$0x3FB1]  }
0x2b: {  	s6 =	sld [smem:$0x3FB2]  }
0x2c: {  	s7 =	sld [smem:$0x3FB3]  }
0x2d: {  	s3 =	simm.s32 $0x108;
	s8 =	sld [smem:$0x3FB4]  }
0x2e: {  	s3 =	simm.s32 @!p0 $0x1082;
	s9 =	sld [smem:$0x3FB5]  }
0x2f: {  	lr =	sadd.s32 s0, s3;
	s0 =	sld [smem:$0x3FAC]  }
0x30: {  	s3 =	sld [smem:$0x3FAF]  }
0x31: {  	[smem:$0x3FB8] =	sst s10  }
0x32: {  	s10 =	sld [smem:$0x3FB6];
	_ =	sdelay $0x3  }
0x33: {  	p0 =	seq.s32 s10, $0x1;
	s10 =	sld [smem:$0x3FB8];
	_ =	sdelay $0x3  }
0x34: {  	[smem:$0x3FB8] =	sst s10  }
0x35: {  	s10 =	sld [smem:$0x3FB7];
	_ =	sdelay $0x3  }
0x36: {  	p1 =	seq.s32 s10, $0x1;
	s10 =	sld [smem:$0x3FB8];
	_ =	sdelay $0x3  }
0x37: {  	[smem:$0x3FB8] =	sst s10  }
0x38: {  	s10 =	sld [smem:$0x3FB9]  }
0x39: {  	_ = 	snop;
	(pc) =	sbr.ind lr, $3  }
0x3a: {  	_ = 	snop  }
0x3b: {  	_ = 	snop  }
0x3c: {  	p2 =	seq.s32 s10, $0x1;
	s10 =	sld [smem:$0x3FB8]  }
0x3d: {  	_ =	shalt  }
0x3e: {  	_ =	shalt  }
0x3f: {  	_ =	shalt  }
0x40: {  	_ =	shalt  }
0x41: {  	_ =	shalt  }
0x42: {  	_ =	shalt  }
0x43: {  	_ =	shalt  }
0x44: {  	_ =	shalt  }
0x45: {  	_ =	shalt  }
0x46: {  	_ =	shalt  }
0x47: {  	_ =	shalt  }
0x48: {  	_ =	shalt  }
0x49: {  	_ =	shalt  }
0x4a: {  	_ =	shalt  }
0x4b: {  	_ =	shalt  }
0x4c: {  	_ =	shalt  }
0x4d: {  	_ =	shalt  }
0x4e: {  	_ =	shalt  }
0x4f: {  	_ =	shalt  }
0x50: {  	_ =	shalt  }
0x51: {  	_ =	shalt  }
0x52: {  	_ =	shalt  }
0x53: {  	_ =	shalt  }
0x54: {  	_ =	shalt  }
0x55: {  	_ =	shalt  }
0x56: {  	_ =	shalt  }
0x57: {  	_ =	shalt  }
0x58: {  	_ =	shalt  }
0x59: {  	_ =	shalt  }
0x5a: {  	_ =	shalt  }
0x5b: {  	_ =	shalt  }
0x5c: {  	_ =	shalt  }
0x5d: {  	_ =	shalt  }
0x5e: {  	_ =	shalt  }
0x5f: {  	_ =	shalt  }
0x60: {  	_ =	shalt  }
0x61: {  	_ =	shalt  }
0x62: {  	_ =	shalt  }
0x63: {  	_ =	shalt  }
0x64: {  	_ =	shalt  }
0x65: {  	_ =	shalt  }
0x66: {  	_ =	shalt  }
0x67: {  	_ =	shalt  }
0x68: {  	_ =	shalt  }
0x69: {  	_ =	shalt  }
0x6a: {  	_ =	shalt  }
0x6b: {  	_ =	shalt  }
0x6c: {  	_ =	shalt  }
0x6d: {  	_ =	shalt  }
0x6e: {  	_ =	shalt  }
0x6f: {  	_ =	shalt  }
0x70: {  	_ =	shalt  }
0x71: {  	_ =	shalt  }
0x72: {  	_ =	shalt  }
0x73: {  	_ =	shalt  }
0x74: {  	_ =	shalt  }
0x75: {  	_ =	shalt  }
0x76: {  	_ =	shalt  }
0x77: {  	_ =	shalt  }
0x78: {  	_ =	shalt  }
0x79: {  	_ =	shalt  }
0x7a: {  	_ =	shalt  }
0x7b: {  	_ =	shalt  }
0x7c: {  	_ =	shalt  }
0x7d: {  	_ =	shalt  }
0x7e: {  	_ =	shalt  }
0x7f: {  	_ =	shalt  }
0x80: {  	_ =	shalt  }
0x81: {  	_ =	shalt  }
0x82: {  	_ =	shalt  }
0x83: {  	_ =	shalt  }
0x84: {  	_ =	shalt  }
0x85: {  	_ =	shalt  }
0x86: {  	_ =	shalt  }
0x87: {  	_ =	shalt  }
.Lfunc_end0:
.L_simem_size_0:
called_computation_lowered:
.L_overlay_start_0:
0x88: {  	s2 =	sld [smem:$0x3FD9]  }
0x89: {  	s3 =	sld [smem:$0x3FFE];
	_ =	sdelay $0x1  }
0x8a: {  	s1 =	srdreg.scid  }
0x8b: {  	s0 =	sand.u32 $0x1, s1  }
0x8c: {  	s17 =	sshll.u32 s0, $0xA;
	s2 =	sadd.s32 s3, s2  }
0x8d: {  	s2 =	sadd.s32 s2, s17  }
0x8e: {  	[smem:$0x3FC4] =	sst s2  }
0x8f: {  	_ = 	snop  }
0x90: {  	s2 =	sld [smem:$0x3FD0];
	(tm) =	ssettm $0x1  }
0x91: {  	s18 =	sld [smem:$0x3FFB];
	_ =	sdelay $0x3  }
0x92: {  	_ =	strace s18  }
0x93: {  	s3 =	sld [smem:$0x3FFC];
	_ =	sdelay $0x3  }
0x94: {  	_ =	strace s3  }
0x95: {  	s3 =	sld [smem:$0x3FFD];
	_ =	sdelay $0x3  }
0x96: {  	_ =	strace s3  }
0x97: {  	_ =	strace $0x8FFFFFFF  }
0x98: {  	s19 =	sld [smem:$0x3FDB];
	_ =	sdelay $0x1  }
0x99: {  	s4 =	simm.s32 $_scs_section_size  }
0x9a: {  	s5 =	simm.s32 $_size__tile_overlayer_lowered;
	s6 =	simm.s32 $_tile_overlayer_lowered  }
0x9b: {  	s22 =	simm.s32 $0x1BFF;
	s21 =	sshll.u32 s6, $0x1;
	s3 =	sadd.s32 s4, s19  }
0x9c: {  	s7 =	simm.s32 $0x0;
	s20 =	sshll.u32 s5, $0x1;
	s5 =	sadd.s32 s21, s3  }
0x9d: {  	[timem:s7], [sflag:s22] =	dma.local [hbm:s5], s20  }
0x9e: {  	_ =	swait.ge [sflag:s22], s20  }
0x9f: {  	s4 =	ssub.s32 $0x0, s20;
	[sflag:s22] =	ssyncset.done $0x0  }
0xa0: {  	[sflag:s22] =	ssyncadd.s32 s4;
	_ =	sdelay $0x1  }
0xa1: {  	s23 =	simm.s32 $0x1B8B  }
0xa2: {  	_ =	swait.ge [sflag:s23], $0x1  }
0xa3: {  	[sflag:s23] =	ssyncset.done $0x0  }
0xa4: {  	s25 =	simm.s32 $0x1B8E;
	s24 =	sld [smem:$0x3FFE];
	[sflag:s23] =	ssyncadd.s32 $0xFFFFFFFF  }
0xa5: {  	s26 =	simm.s32 $execute0_lowered;
	[smem:$0x3FD2] =	sst s25  }
0xa6: {  	s5 =	sshll.u32 s26, $0x1;
	_ =	strace $0x80000046;
	[dreg:$0x1] =	wrdreg $0xFFFFFFFF  }
0xa7: {  	s28 =	simm.s32 $_size_execute0_lowered;
	s3 =	sadd.s32 s3, s5;
	[dreg:$0x0] =	wrdreg $0x0  }
0xa8: {  	s5 =	sshll.u32 s28, $0x1;
	[dreg:$0x2] =	wrdreg s3  }
0xa9: {  	[dreg:$0x3] =	wrdreg s5  }
0xaa: {  	[dreg:$0x4] =	wrdreg $0xC0  }
0xab: {  	_ =	task [dreg:s7], $0x5FFFF  }
0xac: {  	[dreg:$0x1] =	wrdreg $0xFFFFFFFF  }
0xad: {  	[dreg:$0x0] =	wrdreg $0x60  }
0xae: {  	[dreg:$0x2] =	wrdreg s24  }
0xaf: {  	[dreg:$0x3] =	wrdreg s2  }
0xb0: {  	[dreg:$0x4] =	wrdreg $0x9  }
0xb1: {  	_ =	task.clear_ibuf [dreg:s7], $0x5FFFF;
	_ =	strace $0x90000046  }
0xb2: {  	s29 =	simm.s32 $0x9;
	_ =	strace $0x80000048  }
0xb3: {  	_ =	swait.ge [sflag:s29], $0x1  }
0xb4: {  	[sflag:s29] =	ssyncadd.s32 $0xFFFFFFFF  }
0xb5: {  	_ =	strace $0x90000048  }
0xb6: {  	_ =	sfence  }
0xb7: {  	s30 =	sld [smem:$0x0];
	_ =	sdelay $0x2  }
0xb8: {  	s31 =	sshll.u32 s1, $0xD;
	s1 =	sshrl.u32 s1, $0x2  }
0xb9: {  	s3 =	sand.u32 $0x4000, s31;
	s1 =	sadd.s32 s1, s30  }
0xba: {  	s0 =	sor.u32 s3, s0;
	s1 =	sshll.u32 s1, $0x11  }
0xbb: {  	s0 =	sor.u32 s1, s0  }
0xbc: {  	s0 =	sadd.s32 $0x8F2B, s0  }
0xbd: {  	[sflag:s0] =	ssyncadd.remote.s32 $0x1  }
0xbe: {  	_ =	sfence.sel $0xFFFF  }
0xbf: {  	[dreg:$0x0] =	wrdreg $0xFFFFFFFF;
	(pc) =	sbr.abs _section_cstart, $3  }
0xc0: {  	[dreg:$0x1] =	wrdreg $0xFFFFFFFF  }
0xc1: {  	_ =	task.clear_ibuf [dreg:s7], $0x2FFFF;
	_ =	strace $0x9FFFFFFF  }
0xc2: {  	(tm) =	ssettm $0x7FFFFFFF  }
0xc3: {  	_ =	shalt  }
tec
execute0_lowered:
.L_overlay_start_1:
0x0: {  	(tag) =	ssettag $0x1  }
0x1: {  	s1 =	srdreg.scid;
	s0 =	stileid.u32  }
0x2: {  	s1 =	sand.u32 $0x1, s1;
	s2 =	sshll.u32 s0, $0x1  }
0x3: {  	s5 =	rddreg [dreg:$0x0];
	s4 =	sor.u32 s1, s2  }
0x4: {  	s3 =	rddreg [dreg:$0x1];
	s6 =	sshll.u32 s4, $0x8  }
0x5: {  	s2 =	simm.s32 $0x0;
	s4 =	sshll.u32 s4, $0xF;
	s6 =	sadd.s32 s6, s5  }
0x6: {  	[smem:$0x7FF] =	sst s2;
	s3 =	sadd.s32 s3, s4;
	s6 =	sadd.s32 $0x1200, s6  }
0x7: {  	_ =	strace $0x80000047;
	s4 =	sadd.s32 $0x800, s3;
	[dreg:$0x3] =	wrdreg s6  }
0x8: {  	s19 =	sadd.s32 $0x1000, s3;
	[dreg:$0x4] =	wrdreg s4  }
0x9: {  	s20 =	sadd.s32 $0x1800, s3;
	[dreg:$0x5] =	wrdreg s19  }
0xa: {  	s21 =	sadd.s32 $0x2000, s3;
	[dreg:$0x6] =	wrdreg s20  }
0xb: {  	s22 =	sadd.s32 $0x2800, s3;
	[dreg:$0x7] =	wrdreg s21  }
0xc: {  	s23 =	sadd.s32 $0x3000, s3;
	[dreg:$0x8] =	wrdreg s22  }
0xd: {  	s24 =	sadd.s32 $0x3800, s3;
	[dreg:$0x9] =	wrdreg s23  }
0xe: {  	s25 =	sadd.s32 $0x4000, s3;
	[dreg:$0xa] =	wrdreg s24  }
0xf: {  	s26 =	sadd.s32 $0x4800, s3;
	[dreg:$0xb] =	wrdreg s25  }
0x10: {  	[dreg:$0xc] =	wrdreg s26  }
0x11: {  	s4 =	simm.s32 $0x3;
	s6 =	rddreg [dreg:$0x3]  }
0x12: {  	[tilespmem:s2], [sflag:$0x3] =	stream.linear.gather [hbm4b:s6+s2], $0x800, $0x38;
	[tilespmem:$0x8800] =	vst v63  }
0x13: {  	_ =	swait.ge [sflag:s4], $0x800  }
0x14: {  	s7 =	simm.s32 $0x800;
	[sflag:s4] =	ssyncset.done $0x0  }
0x15: {  	s5 =	sadd.s32 $0x3200, s5;
	s6 =	simm.s32 $0x80;
	[sflag:s4] =	ssyncadd.s32 $0xFFFFF800  }
0x16: {  	[tilespmem:s7], [sflag:$0x1] =	stream.indirect.gather [hbm4b:s5+s6], $0x80, s2, s6, $0xb8;
	[tilespmem:$0x8800] =	vst v63  }
0x17: {  	s8 =	simm.s32 $0x4800;
	s9 =	simm.s32 $0x1  }
0x18: {  	[tilespmem:s8], [sflag:$0x2] =	stream.indirect.gather [hbm4b:s5+s6], $0x80, s6, s6, $0xb8;
	[tilespmem:$0x8800] =	vst v63  }
0x19: {  	_ =	swait.ge [sflag:s9], $0x4000  }
0x1a: {  	[sflag:s9] =	ssyncset.done $0x0  }
0x1b: {  	[sflag:s9] =	ssyncadd.s32 $0xFFFFC000  }
0x1c: {  	[hbm4b:s3+s2] =	stream.linear.scatter [tilespmem:s7], [sflag:$0x3], $0x4000, $0x38;
	[tilespmem:$0x8800] =	vst v63  }
0x1d: {  	_ =	swait.ge [sflag:s4], $0x4000  }
0x1e: {  	[sflag:s4] =	ssyncset.done $0x0  }
0x1f: {  	s10 =	simm.s32 $0x100;
	s11 =	simm.s32 $0x2;
	[sflag:s4] =	ssyncadd.s32 $0xFFFFC000  }
0x20: {  	[tilespmem:s7], [sflag:$0x1] =	stream.indirect.gather [hbm4b:s5+s6], $0x80, s10, s6, $0xb8;
	[tilespmem:$0x8800] =	vst v63  }
0x21: {  	_ =	swait.ge [sflag:s11], $0x4000  }
0x22: {  	[sflag:s11] =	ssyncset.done $0x0  }
0x23: {  	s12 =	rddreg [dreg:$0x4];
	[sflag:s11] =	ssyncadd.s32 $0xFFFFC000  }
0x24: {  	[hbm4b:s12+s2] =	stream.linear.scatter [tilespmem:s8], [sflag:$0x3], $0x4000, $0x38;
	[tilespmem:$0x8800] =	vst v63  }
0x25: {  	_ =	swait.ge [sflag:s4], $0x4000  }
0x26: {  	[sflag:s4] =	ssyncset.done $0x0  }
0x27: {  	s12 =	simm.s32 $0x180;
	[sflag:s4] =	ssyncadd.s32 $0xFFFFC000  }
0x28: {  	[tilespmem:s8], [sflag:$0x2] =	stream.indirect.gather [hbm4b:s5+s6], $0x80, s12, s6, $0xb8;
	[tilespmem:$0x8800] =	vst v63  }
0x29: {  	_ =	swait.ge [sflag:s9], $0x4000  }
0x2a: {  	[sflag:s9] =	ssyncset.done $0x0  }
0x2b: {  	s13 =	rddreg [dreg:$0x5];
	[sflag:s9] =	ssyncadd.s32 $0xFFFFC000  }
0x2c: {  	[hbm4b:s13+s2] =	stream.linear.scatter [tilespmem:s7], [sflag:$0x3], $0x4000, $0x38;
	[tilespmem:$0x8800] =	vst v63  }
0x2d: {  	_ =	swait.ge [sflag:s4], $0x4000  }
0x2e: {  	[sflag:s4] =	ssyncset.done $0x0  }
0x2f: {  	s13 =	simm.s32 $0x200;
	[sflag:s4] =	ssyncadd.s32 $0xFFFFC000  }
0x30: {  	[tilespmem:s7], [sflag:$0x1] =	stream.indirect.gather [hbm4b:s5+s6], $0x80, s13, s6, $0xb8;
	[tilespmem:$0x8800] =	vst v63  }
0x31: {  	_ =	swait.ge [sflag:s11], $0x4000  }
0x32: {  	[sflag:s11] =	ssyncset.done $0x0  }
0x33: {  	s14 =	rddreg [dreg:$0x6];
	[sflag:s11] =	ssyncadd.s32 $0xFFFFC000  }
0x34: {  	[hbm4b:s14+s2] =	stream.linear.scatter [tilespmem:s8], [sflag:$0x3], $0x4000, $0x38;
	[tilespmem:$0x8800] =	vst v63  }
0x35: {  	_ =	swait.ge [sflag:s4], $0x4000  }
0x36: {  	[sflag:s4] =	ssyncset.done $0x0  }
0x37: {  	s14 =	simm.s32 $0x280;
	[sflag:s4] =	ssyncadd.s32 $0xFFFFC000  }
0x38: {  	[tilespmem:s8], [sflag:$0x2] =	stream.indirect.gather [hbm4b:s5+s6], $0x80, s14, s6, $0xb8;
	[tilespmem:$0x8800] =	vst v63  }
0x39: {  	_ =	swait.ge [sflag:s9], $0x4000  }
0x3a: {  	[sflag:s9] =	ssyncset.done $0x0  }
0x3b: {  	s15 =	rddreg [dreg:$0x7];
	[sflag:s9] =	ssyncadd.s32 $0xFFFFC000  }
0x3c: {  	[hbm4b:s15+s2] =	stream.linear.scatter [tilespmem:s7], [sflag:$0x3], $0x4000, $0x38;
	[tilespmem:$0x8800] =	vst v63  }
0x3d: {  	_ =	swait.ge [sflag:s4], $0x4000  }
0x3e: {  	[sflag:s4] =	ssyncset.done $0x0  }
0x3f: {  	s15 =	simm.s32 $0x300;
	[sflag:s4] =	ssyncadd.s32 $0xFFFFC000  }
0x40: {  	[tilespmem:s7], [sflag:$0x1] =	stream.indirect.gather [hbm4b:s5+s6], $0x80, s15, s6, $0xb8;
	[tilespmem:$0x8800] =	vst v63  }
0x41: {  	_ =	swait.ge [sflag:s11], $0x4000  }
0x42: {  	[sflag:s11] =	ssyncset.done $0x0  }
0x43: {  	s16 =	rddreg [dreg:$0x8];
	[sflag:s11] =	ssyncadd.s32 $0xFFFFC000  }
0x44: {  	[hbm4b:s16+s2] =	stream.linear.scatter [tilespmem:s8], [sflag:$0x3], $0x4000, $0x38;
	[tilespmem:$0x8800] =	vst v63  }
0x45: {  	_ =	swait.ge [sflag:s4], $0x4000  }
0x46: {  	[sflag:s4] =	ssyncset.done $0x0  }
0x47: {  	s16 =	simm.s32 $0x380;
	[sflag:s4] =	ssyncadd.s32 $0xFFFFC000  }
0x48: {  	[tilespmem:s8], [sflag:$0x2] =	stream.indirect.gather [hbm4b:s5+s6], $0x80, s16, s6, $0xb8;
	[tilespmem:$0x8800] =	vst v63  }
0x49: {  	_ =	swait.ge [sflag:s9], $0x4000  }
0x4a: {  	[sflag:s9] =	ssyncset.done $0x0  }
0x4b: {  	s17 =	rddreg [dreg:$0x9];
	[sflag:s9] =	ssyncadd.s32 $0xFFFFC000  }
0x4c: {  	[hbm4b:s17+s2] =	stream.linear.scatter [tilespmem:s7], [sflag:$0x3], $0x4000, $0x38;
	[tilespmem:$0x8800] =	vst v63  }
0x4d: {  	_ =	swait.ge [sflag:s4], $0x4000  }
0x4e: {  	[sflag:s4] =	ssyncset.done $0x0  }
0x4f: {  	s17 =	simm.s32 $0x400;
	[sflag:s4] =	ssyncadd.s32 $0xFFFFC000  }
0x50: {  	[tilespmem:s7], [sflag:$0x1] =	stream.indirect.gather [hbm4b:s5+s6], $0x80, s17, s6, $0xb8;
	[tilespmem:$0x8800] =	vst v63  }
0x51: {  	_ =	swait.ge [sflag:s11], $0x4000  }
0x52: {  	[sflag:s11] =	ssyncset.done $0x0  }
0x53: {  	s18 =	rddreg [dreg:$0xa];
	[sflag:s11] =	ssyncadd.s32 $0xFFFFC000  }
0x54: {  	[hbm4b:s18+s2] =	stream.linear.scatter [tilespmem:s8], [sflag:$0x3], $0x4000, $0x38;
	[tilespmem:$0x8800] =	vst v63  }
0x55: {  	_ =	swait.ge [sflag:s4], $0x4000  }
0x56: {  	[sflag:s4] =	ssyncset.done $0x0  }
0x57: {  	s18 =	simm.s32 $0x480;
	[sflag:s4] =	ssyncadd.s32 $0xFFFFC000  }
0x58: {  	[tilespmem:s8], [sflag:$0x2] =	stream.indirect.gather [hbm4b:s5+s6], $0x80, s18, s6, $0xb8;
	[tilespmem:$0x8800] =	vst v63  }
0x59: {  	_ =	swait.ge [sflag:s9], $0x4000  }
0x5a: {  	[sflag:s9] =	ssyncset.done $0x0  }
0x5b: {  	s19 =	rddreg [dreg:$0xb];
	[sflag:s9] =	ssyncadd.s32 $0xFFFFC000  }
0x5c: {  	[hbm4b:s19+s2] =	stream.linear.scatter [tilespmem:s7], [sflag:$0x3], $0x4000, $0x38;
	[tilespmem:$0x8800] =	vst v63  }
0x5d: {  	_ =	swait.ge [sflag:s4], $0x4000  }
0x5e: {  	[sflag:s4] =	ssyncset.done $0x0  }
0x5f: {  	s19 =	simm.s32 $0x500;
	[sflag:s4] =	ssyncadd.s32 $0xFFFFC000  }
0x60: {  	[tilespmem:s7], [sflag:$0x1] =	stream.indirect.gather [hbm4b:s5+s6], $0x80, s19, s6, $0xb8;
	[tilespmem:$0x8800] =	vst v63  }
0x61: {  	_ =	swait.ge [sflag:s11], $0x4000  }
0x62: {  	[sflag:s11] =	ssyncset.done $0x0  }
0x63: {  	s20 =	rddreg [dreg:$0xc];
	[sflag:s11] =	ssyncadd.s32 $0xFFFFC000  }
0x64: {  	[hbm4b:s20+s2] =	stream.linear.scatter [tilespmem:s8], [sflag:$0x3], $0x4000, $0x38;
	[tilespmem:$0x8800] =	vst v63  }
0x65: {  	_ =	swait.ge [sflag:s4], $0x4000  }
0x66: {  	[sflag:s4] =	ssyncset.done $0x0  }
0x67: {  	s20 =	simm.s32 $0x580;
	[sflag:s4] =	ssyncadd.s32 $0xFFFFC000  }
0x68: {  	[tilespmem:s8], [sflag:$0x2] =	stream.indirect.gather [hbm4b:s5+s6], $0x80, s20, s6, $0xb8;
	[tilespmem:$0x8800] =	vst v63  }
0x69: {  	_ =	swait.ge [sflag:s9], $0x4000  }
0x6a: {  	[sflag:s9] =	ssyncset.done $0x0  }
0x6b: {  	s21 =	sadd.s32 $0x5000, s3;
	[sflag:s9] =	ssyncadd.s32 $0xFFFFC000  }
0x6c: {  	[hbm4b:s21+s2] =	stream.linear.scatter [tilespmem:s7], [sflag:$0x3], $0x4000, $0x38;
	[tilespmem:$0x8800] =	vst v63  }
0x6d: {  	_ =	swait.ge [sflag:s4], $0x4000  }
0x6e: {  	[sflag:s4] =	ssyncset.done $0x0  }
0x6f: {  	s22 =	simm.s32 $0x600;
	[sflag:s4] =	ssyncadd.s32 $0xFFFFC000  }
0x70: {  	[tilespmem:s7], [sflag:$0x1] =	stream.indirect.gather [hbm4b:s5+s6], $0x80, s22, s6, $0xb8;
	[tilespmem:$0x8800] =	vst v63  }
0x71: {  	_ =	swait.ge [sflag:s11], $0x4000  }
0x72: {  	[sflag:s11] =	ssyncset.done $0x0  }
0x73: {  	s23 =	sadd.s32 $0x5800, s3;
	[sflag:s11] =	ssyncadd.s32 $0xFFFFC000  }
0x74: {  	[hbm4b:s23+s2] =	stream.linear.scatter [tilespmem:s8], [sflag:$0x3], $0x4000, $0x38;
	[tilespmem:$0x8800] =	vst v63  }
0x75: {  	_ =	swait.ge [sflag:s4], $0x4000  }
0x76: {  	[sflag:s4] =	ssyncset.done $0x0  }
0x77: {  	s24 =	simm.s32 $0x680;
	[sflag:s4] =	ssyncadd.s32 $0xFFFFC000  }
0x78: {  	[tilespmem:s8], [sflag:$0x2] =	stream.indirect.gather [hbm4b:s5+s6], $0x80, s24, s6, $0xb8;
	[tilespmem:$0x8800] =	vst v63  }
0x79: {  	_ =	swait.ge [sflag:s9], $0x4000  }
0x7a: {  	[sflag:s9] =	ssyncset.done $0x0  }
0x7b: {  	s25 =	sadd.s32 $0x6000, s3;
	[sflag:s9] =	ssyncadd.s32 $0xFFFFC000  }
0x7c: {  	[hbm4b:s25+s2] =	stream.linear.scatter [tilespmem:s7], [sflag:$0x3], $0x4000, $0x38;
	[tilespmem:$0x8800] =	vst v63  }
0x7d: {  	_ =	swait.ge [sflag:s4], $0x4000  }
0x7e: {  	[sflag:s4] =	ssyncset.done $0x0  }
0x7f: {  	s26 =	simm.s32 $0x700;
	[sflag:s4] =	ssyncadd.s32 $0xFFFFC000  }
0x80: {  	[tilespmem:s7], [sflag:$0x1] =	stream.indirect.gather [hbm4b:s5+s6], $0x80, s26, s6, $0xb8;
	[tilespmem:$0x8800] =	vst v63  }
0x81: {  	_ =	swait.ge [sflag:s11], $0x4000  }
0x82: {  	[sflag:s11] =	ssyncset.done $0x0  }
0x83: {  	s28 =	sadd.s32 $0x6800, s3;
	[sflag:s11] =	ssyncadd.s32 $0xFFFFC000  }
0x84: {  	[hbm4b:s28+s2] =	stream.linear.scatter [tilespmem:s8], [sflag:$0x3], $0x4000, $0x38;
	[tilespmem:$0x8800] =	vst v63  }
0x85: {  	_ =	swait.ge [sflag:s4], $0x4000  }
0x86: {  	[sflag:s4] =	ssyncset.done $0x0  }
0x87: {  	s29 =	simm.s32 $0x780;
	[sflag:s4] =	ssyncadd.s32 $0xFFFFC000  }
0x88: {  	[tilespmem:s8], [sflag:$0x2] =	stream.indirect.gather [hbm4b:s5+s6], $0x80, s29, s6, $0xb8;
	[tilespmem:$0x8800] =	vst v63  }
0x89: {  	_ =	swait.ge [sflag:s9], $0x4000  }
0x8a: {  	s1 =	ssub.s32 $0x2, s1;
	[sflag:s9] =	ssyncset.done $0x0  }
0x8b: {  	s31 =	sshrl.u32 s1, $0x1;
	s30 =	sadd.s32 $0x7000, s3;
	[sflag:s9] =	ssyncadd.s32 $0xFFFFC000  }
0x8c: {  	[hbm4b:s30+s2] =	stream.linear.scatter [tilespmem:s7], [sflag:$0x3], $0x4000, $0x38;
	[tilespmem:$0x8800] =	vst v63  }
0x8d: {  	s1 =	ssub.s32 s1, s31;
	_ =	swait.ge [sflag:s4], $0x4000  }
0x8e: {  	s1 =	smax.u32 s1, $0x1;
	[sflag:s4] =	ssyncset.done $0x0  }
0x8f: {  	p0 =	sne.s32 s1, $0x1;
	[sflag:s4] =	ssyncadd.s32 $0xFFFFC000  }
.Ltmp0:
0x90: {  	_ =	swait.ge [sflag:s11], $0x4000;
	(pc) =	sbr.rel @!p0 .LBB2_2-.Ltmp0, $4  }
0x91: {  	[sflag:s11] =	ssyncset.done $0x0  }
0x92: {  	s31 =	sadd.s32 $0x7800, s3;
	[sflag:s11] =	ssyncadd.s32 $0xFFFFC000  }
0x93: {  	[hbm4b:s31+s2] =	stream.linear.scatter [tilespmem:s8], [sflag:$0x3], $0x4000, $0x38;
	[tilespmem:$0x8800] =	vst v63  }
0x94: {  	s1 =	sadd.s32 $0xFFFFFFFF, s1;
	_ =	swait.ge [sflag:s4], $0x4000  }
.LBB2_1:
0x95: {  	[sflag:s4] =	ssyncset.done $0x0  }
0x96: {  	s0 =	rddreg [dreg:$0x3];
	[sflag:s4] =	ssyncadd.s32 $0xFFFFC000  }
0x97: {  	[tilespmem:s2], [sflag:$0x3] =	stream.linear.gather [hbm4b:s0+s2], $0x800, $0x38;
	[tilespmem:$0x8800] =	vst v63  }
0x98: {  	_ =	swait.ge [sflag:s4], $0x800  }
0x99: {  	[sflag:s4] =	ssyncset.done $0x0  }
0x9a: {  	[sflag:s4] =	ssyncadd.s32 $0xFFFFF800  }
0x9b: {  	[tilespmem:s7], [sflag:$0x1] =	stream.indirect.gather [hbm4b:s5+s6], $0x80, s2, s6, $0xb8;
	[tilespmem:$0x8800] =	vst v63  }
0x9c: {  	_ = 	snop  }
0x9d: {  	[tilespmem:s8], [sflag:$0x2] =	stream.indirect.gather [hbm4b:s5+s6], $0x80, s6, s6, $0xb8;
	[tilespmem:$0x8800] =	vst v63  }
0x9e: {  	_ =	swait.ge [sflag:s9], $0x4000  }
0x9f: {  	[sflag:s9] =	ssyncset.done $0x0  }
0xa0: {  	[sflag:s9] =	ssyncadd.s32 $0xFFFFC000  }
0xa1: {  	[hbm4b:s3+s2] =	stream.linear.scatter [tilespmem:s7], [sflag:$0x3], $0x4000, $0x38;
	[tilespmem:$0x8800] =	vst v63  }
0xa2: {  	_ =	swait.ge [sflag:s4], $0x4000  }
0xa3: {  	[sflag:s4] =	ssyncset.done $0x0  }
0xa4: {  	[sflag:s4] =	ssyncadd.s32 $0xFFFFC000  }
0xa5: {  	[tilespmem:s7], [sflag:$0x1] =	stream.indirect.gather [hbm4b:s5+s6], $0x80, s10, s6, $0xb8;
	[tilespmem:$0x8800] =	vst v63  }
0xa6: {  	_ =	swait.ge [sflag:s11], $0x4000  }
0xa7: {  	[sflag:s11] =	ssyncset.done $0x0  }
0xa8: {  	s0 =	rddreg [dreg:$0x4];
	[sflag:s11] =	ssyncadd.s32 $0xFFFFC000  }
0xa9: {  	[hbm4b:s0+s2] =	stream.linear.scatter [tilespmem:s8], [sflag:$0x3], $0x4000, $0x38;
	[tilespmem:$0x8800] =	vst v63  }
0xaa: {  	_ =	swait.ge [sflag:s4], $0x4000  }
0xab: {  	[sflag:s4] =	ssyncset.done $0x0  }
0xac: {  	[sflag:s4] =	ssyncadd.s32 $0xFFFFC000  }
0xad: {  	[tilespmem:s8], [sflag:$0x2] =	stream.indirect.gather [hbm4b:s5+s6], $0x80, s12, s6, $0xb8;
	[tilespmem:$0x8800] =	vst v63  }
0xae: {  	_ =	swait.ge [sflag:s9], $0x4000  }
0xaf: {  	[sflag:s9] =	ssyncset.done $0x0  }
0xb0: {  	s0 =	rddreg [dreg:$0x5];
	[sflag:s9] =	ssyncadd.s32 $0xFFFFC000  }
0xb1: {  	[hbm4b:s0+s2] =	stream.linear.scatter [tilespmem:s7], [sflag:$0x3], $0x4000, $0x38;
	[tilespmem:$0x8800] =	vst v63  }
0xb2: {  	_ =	swait.ge [sflag:s4], $0x4000  }
0xb3: {  	[sflag:s4] =	ssyncset.done $0x0  }
0xb4: {  	[sflag:s4] =	ssyncadd.s32 $0xFFFFC000  }
0xb5: {  	[tilespmem:s7], [sflag:$0x1] =	stream.indirect.gather [hbm4b:s5+s6], $0x80, s13, s6, $0xb8;
	[tilespmem:$0x8800] =	vst v63  }
0xb6: {  	_ =	swait.ge [sflag:s11], $0x4000  }
0xb7: {  	[sflag:s11] =	ssyncset.done $0x0  }
0xb8: {  	s0 =	rddreg [dreg:$0x6];
	[sflag:s11] =	ssyncadd.s32 $0xFFFFC000  }
0xb9: {  	[hbm4b:s0+s2] =	stream.linear.scatter [tilespmem:s8], [sflag:$0x3], $0x4000, $0x38;
	[tilespmem:$0x8800] =	vst v63  }
0xba: {  	_ =	swait.ge [sflag:s4], $0x4000  }
0xbb: {  	[sflag:s4] =	ssyncset.done $0x0  }
0xbc: {  	[sflag:s4] =	ssyncadd.s32 $0xFFFFC000  }
0xbd: {  	[tilespmem:s8], [sflag:$0x2] =	stream.indirect.gather [hbm4b:s5+s6], $0x80, s14, s6, $0xb8;
	[tilespmem:$0x8800] =	vst v63  }
0xbe: {  	_ =	swait.ge [sflag:s9], $0x4000  }
0xbf: {  	[sflag:s9] =	ssyncset.done $0x0  }
0xc0: {  	s0 =	rddreg [dreg:$0x7];
	[sflag:s9] =	ssyncadd.s32 $0xFFFFC000  }
0xc1: {  	[hbm4b:s0+s2] =	stream.linear.scatter [tilespmem:s7], [sflag:$0x3], $0x4000, $0x38;
	[tilespmem:$0x8800] =	vst v63  }
0xc2: {  	_ =	swait.ge [sflag:s4], $0x4000  }
0xc3: {  	[sflag:s4] =	ssyncset.done $0x0  }
0xc4: {  	[sflag:s4] =	ssyncadd.s32 $0xFFFFC000  }
0xc5: {  	[tilespmem:s7], [sflag:$0x1] =	stream.indirect.gather [hbm4b:s5+s6], $0x80, s15, s6, $0xb8;
	[tilespmem:$0x8800] =	vst v63  }
0xc6: {  	_ =	swait.ge [sflag:s11], $0x4000  }
0xc7: {  	[sflag:s11] =	ssyncset.done $0x0  }
0xc8: {  	s0 =	rddreg [dreg:$0x8];
	[sflag:s11] =	ssyncadd.s32 $0xFFFFC000  }
0xc9: {  	[hbm4b:s0+s2] =	stream.linear.scatter [tilespmem:s8], [sflag:$0x3], $0x4000, $0x38;
	[tilespmem:$0x8800] =	vst v63  }
0xca: {  	_ =	swait.ge [sflag:s4], $0x4000  }
0xcb: {  	[sflag:s4] =	ssyncset.done $0x0  }
0xcc: {  	[sflag:s4] =	ssyncadd.s32 $0xFFFFC000  }
0xcd: {  	[tilespmem:s8], [sflag:$0x2] =	stream.indirect.gather [hbm4b:s5+s6], $0x80, s16, s6, $0xb8;
	[tilespmem:$0x8800] =	vst v63  }
0xce: {  	_ =	swait.ge [sflag:s9], $0x4000  }
0xcf: {  	[sflag:s9] =	ssyncset.done $0x0  }
0xd0: {  	s0 =	rddreg [dreg:$0x9];
	[sflag:s9] =	ssyncadd.s32 $0xFFFFC000  }
0xd1: {  	[hbm4b:s0+s2] =	stream.linear.scatter [tilespmem:s7], [sflag:$0x3], $0x4000, $0x38;
	[tilespmem:$0x8800] =	vst v63  }
0xd2: {  	_ =	swait.ge [sflag:s4], $0x4000  }
0xd3: {  	[sflag:s4] =	ssyncset.done $0x0  }
0xd4: {  	[sflag:s4] =	ssyncadd.s32 $0xFFFFC000  }
0xd5: {  	[tilespmem:s7], [sflag:$0x1] =	stream.indirect.gather [hbm4b:s5+s6], $0x80, s17, s6, $0xb8;
	[tilespmem:$0x8800] =	vst v63  }
0xd6: {  	_ =	swait.ge [sflag:s11], $0x4000  }
0xd7: {  	[sflag:s11] =	ssyncset.done $0x0  }
0xd8: {  	s0 =	rddreg [dreg:$0xa];
	[sflag:s11] =	ssyncadd.s32 $0xFFFFC000  }
0xd9: {  	[hbm4b:s0+s2] =	stream.linear.scatter [tilespmem:s8], [sflag:$0x3], $0x4000, $0x38;
	[tilespmem:$0x8800] =	vst v63  }
0xda: {  	_ =	swait.ge [sflag:s4], $0x4000  }
0xdb: {  	[sflag:s4] =	ssyncset.done $0x0  }
0xdc: {  	[sflag:s4] =	ssyncadd.s32 $0xFFFFC000  }
0xdd: {  	[tilespmem:s8], [sflag:$0x2] =	stream.indirect.gather [hbm4b:s5+s6], $0x80, s18, s6, $0xb8;
	[tilespmem:$0x8800] =	vst v63  }
0xde: {  	_ =	swait.ge [sflag:s9], $0x4000  }
0xdf: {  	[sflag:s9] =	ssyncset.done $0x0  }
0xe0: {  	s0 =	rddreg [dreg:$0xb];
	[sflag:s9] =	ssyncadd.s32 $0xFFFFC000  }
0xe1: {  	[hbm4b:s0+s2] =	stream.linear.scatter [tilespmem:s7], [sflag:$0x3], $0x4000, $0x38;
	[tilespmem:$0x8800] =	vst v63  }
0xe2: {  	_ =	swait.ge [sflag:s4], $0x4000  }
0xe3: {  	[sflag:s4] =	ssyncset.done $0x0  }
0xe4: {  	[sflag:s4] =	ssyncadd.s32 $0xFFFFC000  }
0xe5: {  	[tilespmem:s7], [sflag:$0x1] =	stream.indirect.gather [hbm4b:s5+s6], $0x80, s19, s6, $0xb8;
	[tilespmem:$0x8800] =	vst v63  }
0xe6: {  	_ =	swait.ge [sflag:s11], $0x4000  }
0xe7: {  	[sflag:s11] =	ssyncset.done $0x0  }
0xe8: {  	s0 =	rddreg [dreg:$0xc];
	[sflag:s11] =	ssyncadd.s32 $0xFFFFC000  }
0xe9: {  	[hbm4b:s0+s2] =	stream.linear.scatter [tilespmem:s8], [sflag:$0x3], $0x4000, $0x38;
	[tilespmem:$0x8800] =	vst v63  }
0xea: {  	_ =	swait.ge [sflag:s4], $0x4000  }
0xeb: {  	[sflag:s4] =	ssyncset.done $0x0  }
0xec: {  	[sflag:s4] =	ssyncadd.s32 $0xFFFFC000  }
0xed: {  	[tilespmem:s8], [sflag:$0x2] =	stream.indirect.gather [hbm4b:s5+s6], $0x80, s20, s6, $0xb8;
	[tilespmem:$0x8800] =	vst v63  }
0xee: {  	_ =	swait.ge [sflag:s9], $0x4000  }
0xef: {  	[sflag:s9] =	ssyncset.done $0x0  }
0xf0: {  	[sflag:s9] =	ssyncadd.s32 $0xFFFFC000  }
0xf1: {  	[hbm4b:s21+s2] =	stream.linear.scatter [tilespmem:s7], [sflag:$0x3], $0x4000, $0x38;
	[tilespmem:$0x8800] =	vst v63  }
0xf2: {  	_ =	swait.ge [sflag:s4], $0x4000  }
0xf3: {  	[sflag:s4] =	ssyncset.done $0x0  }
0xf4: {  	[sflag:s4] =	ssyncadd.s32 $0xFFFFC000  }
0xf5: {  	[tilespmem:s7], [sflag:$0x1] =	stream.indirect.gather [hbm4b:s5+s6], $0x80, s22, s6, $0xb8;
	[tilespmem:$0x8800] =	vst v63  }
0xf6: {  	_ =	swait.ge [sflag:s11], $0x4000  }
0xf7: {  	[sflag:s11] =	ssyncset.done $0x0  }
0xf8: {  	[sflag:s11] =	ssyncadd.s32 $0xFFFFC000  }
0xf9: {  	[hbm4b:s23+s2] =	stream.linear.scatter [tilespmem:s8], [sflag:$0x3], $0x4000, $0x38;
	[tilespmem:$0x8800] =	vst v63  }
0xfa: {  	_ =	swait.ge [sflag:s4], $0x4000  }
0xfb: {  	[sflag:s4] =	ssyncset.done $0x0  }
0xfc: {  	[sflag:s4] =	ssyncadd.s32 $0xFFFFC000  }
0xfd: {  	[tilespmem:s8], [sflag:$0x2] =	stream.indirect.gather [hbm4b:s5+s6], $0x80, s24, s6, $0xb8;
	[tilespmem:$0x8800] =	vst v63  }
0xfe: {  	_ =	swait.ge [sflag:s9], $0x4000  }
0xff: {  	[sflag:s9] =	ssyncset.done $0x0  }
0x100: {  	[sflag:s9] =	ssyncadd.s32 $0xFFFFC000  }
0x101: {  	[hbm4b:s25+s2] =	stream.linear.scatter [tilespmem:s7], [sflag:$0x3], $0x4000, $0x38;
	[tilespmem:$0x8800] =	vst v63  }
0x102: {  	_ =	swait.ge [sflag:s4], $0x4000  }
0x103: {  	[sflag:s4] =	ssyncset.done $0x0  }
0x104: {  	[sflag:s4] =	ssyncadd.s32 $0xFFFFC000  }
0x105: {  	[tilespmem:s7], [sflag:$0x1] =	stream.indirect.gather [hbm4b:s5+s6], $0x80, s26, s6, $0xb8;
	[tilespmem:$0x8800] =	vst v63  }
0x106: {  	_ =	swait.ge [sflag:s11], $0x4000  }
0x107: {  	[sflag:s11] =	ssyncset.done $0x0  }
0x108: {  	[sflag:s11] =	ssyncadd.s32 $0xFFFFC000  }
0x109: {  	[hbm4b:s28+s2] =	stream.linear.scatter [tilespmem:s8], [sflag:$0x3], $0x4000, $0x38;
	[tilespmem:$0x8800] =	vst v63  }
0x10a: {  	_ =	swait.ge [sflag:s4], $0x4000  }
0x10b: {  	[sflag:s4] =	ssyncset.done $0x0  }
0x10c: {  	[sflag:s4] =	ssyncadd.s32 $0xFFFFC000  }
0x10d: {  	[tilespmem:s8], [sflag:$0x2] =	stream.indirect.gather [hbm4b:s5+s6], $0x80, s29, s6, $0xb8;
	[tilespmem:$0x8800] =	vst v63  }
0x10e: {  	_ =	swait.ge [sflag:s9], $0x4000  }
0x10f: {  	[sflag:s9] =	ssyncset.done $0x0  }
0x110: {  	[sflag:s9] =	ssyncadd.s32 $0xFFFFC000  }
0x111: {  	[hbm4b:s30+s2] =	stream.linear.scatter [tilespmem:s7], [sflag:$0x3], $0x4000, $0x38;
	[tilespmem:$0x8800] =	vst v63  }
0x112: {  	_ =	swait.ge [sflag:s4], $0x4000  }
0x113: {  	[sflag:s4] =	ssyncset.done $0x0  }
0x114: {  	p0 =	sne.s32 s1, $0x1;
	[sflag:s4] =	ssyncadd.s32 $0xFFFFC000  }
.Ltmp1:
0x115: {  	_ =	swait.ge [sflag:s11], $0x4000;
	(pc) =	sbr.rel @p0 .LBB2_1-.Ltmp1, $4  }
0x116: {  	[sflag:s11] =	ssyncset.done $0x0  }
0x117: {  	[sflag:s11] =	ssyncadd.s32 $0xFFFFC000  }
0x118: {  	[hbm4b:s31+s2] =	stream.linear.scatter [tilespmem:s8], [sflag:$0x3], $0x4000, $0x38;
	[tilespmem:$0x8800] =	vst v63  }
0x119: {  	s1 =	sadd.s32 $0xFFFFFFFF, s1;
	_ =	swait.ge [sflag:s4], $0x4000  }
.LBB2_2:
0x11a: {  	[sflag:s4] =	ssyncset.done $0x0  }
0x11b: {  	[sflag:s4] =	ssyncadd.s32 $0xFFFFC000  }
0x11c: {  	_ =	sfence.sel $0x180000  }
0x11d: {  	[bflag:$0x0] =	sbarrier.arrive $0xFFFF  }
0x11e: {  	_ =	strace $0x90000047  }
0x11f: {  	s0 =	stileid.u32;
	[bflag:$0x2] =	sbarrier.arrive $0xFFFF  }
0x120: {  	p0 =	sne.s32 s0, $0x0;
	s0 =	rddreg [dreg:$0x2]  }
0x121: {  	s0 =	sadd.s32 @!p0 $0x100000, s0  }
0x122: {  	[sflag:s0] =	ssyncadd.tile.s32 @!p0 $0x1;
	_ =	shalt  }
.Lfunc_end2:
_tile_overlayer_lowered:
.L_overlay_start_2:
0x123: {  	(tag) =	ssettag $0x2  }
0x124: {  	s0 =	rddreg [dreg:$0x0];
	s2 =	stileid.u32  }
0x125: {  	s1 =	rddreg [dreg:$0x1];
	p0 =	sne.s32 s2, $0x0  }
0x126: {  	s3 =	rddreg [dreg:$0x2];
	[bflag:$0x3] =	sbarrier.arrive $0xFFFF;
	s2 =	simm.s32 @!p0 $0x1C03  }
0x127: {  	[timem:s3], [sflag:s2] =	dma.local @!p0 [hbm:s0], s1  }
0x128: {  	s0 =	simm.s32 @!p0 $0x3  }
0x129: {  	_ =	swait.ge @!p0 [sflag:s0], s1  }
0x12a: {  	s1 =	ssub.s32 @!p0 $0x0, s1;
	[sflag:s0] =	ssyncset.done @!p0 $0x0  }
0x12b: {  	[sflag:s0] =	ssyncadd.s32 @!p0 s1  }
0x12c: {  	[bflag:$0x3] =	sbarrier.arrive $0xFFFF  }
0x12d: {  	_ =	shalt  }

</sc_bundles>
